<compile_context>
chip_gen: v7x
topology: tpu7x:2x2x1
jax: 0.10.2.dev20260603
libtpu: 0.0.44.dev20260713+nightly
codegen_flags: <defaults>
</compile_context>

<pallas_src>
import functools

import jax
import jax.numpy as jnp
from jax import lax
from jax.experimental import pallas as pl
from jax.experimental.pallas import tpu as pltpu
from jax.experimental.pallas import tpu_sc as plsc

_B, _T, _M, _D = 64, 32, 8192, 256
_NHEAD = 4
_TOK = 2 * _B * _T
_BLK = 512
_NBLK = _TOK // _BLK
_NW = 32
_ROWS_W = _TOK // _NW



def _layernorm(x, g, b):
    mu = jnp.mean(x, -1, keepdims=True)
    var = jnp.var(x, -1, keepdims=True)
    return (x - mu) / jnp.sqrt(var + 1e-5) * g + b


def _mha(x, p):
    Bq, Tq, Dm = x.shape
    qkv = x @ p['w_in'].T + p['b_in']
    q, k, v = jnp.split(qkv, 3, axis=-1)
    hd = Dm // _NHEAD
    sh = lambda t: t.reshape(Bq, Tq, _NHEAD, hd).transpose(0, 2, 1, 3)
    q, k, v = sh(q), sh(k), sh(v)
    att = jax.nn.softmax(q @ k.transpose(0, 1, 3, 2) / (hd ** 0.5), axis=-1)
    o = (att @ v).transpose(0, 2, 1, 3).reshape(Bq, Tq, Dm)
    return o @ p['w_out'].T + p['b_out']


def _encoder_layer(x, p):
    x = _layernorm(x + _mha(x, p), p['ln1_g'], p['ln1_b'])
    ff = jax.nn.relu(x @ p['w1'].T + p['b1']) @ p['w2'].T + p['b2']
    return _layernorm(x + ff, p['ln2_g'], p['ln2_b'])


def _self_att(feat, w, b, layers):
    x = feat @ w.T + b
    for p in layers:
        x = _encoder_layer(x, p)
    return x



def _vq_body(flat_ref, emb_ref, esq_ref, idx_ref, ph_ref, hist_ref):
    i = pl.program_id(0)
    f = flat_ref[...]
    e = emb_ref[...]
    esq = esq_ref[...]
    z = lax.dot_general(f.astype(jnp.bfloat16), e.astype(jnp.bfloat16),
                        (((1,), (1,)), ((), ())),
                        preferred_element_type=jnp.float32)
    fsq = jnp.sum(f * f, axis=1, keepdims=True)
    d = jnp.maximum(esq + fsq - 2.0 * z, 0.0)
    m = jnp.min(d, axis=1, keepdims=True)
    lanes = lax.broadcasted_iota(jnp.int32, (_BLK, _M), 1)
    sel = d == m
    idx = jnp.min(jnp.where(sel, lanes, _M), axis=1).astype(jnp.int32)
    idx_ref[0, 0, :] = idx
    ph = jnp.exp(jnp.sqrt(m) - jnp.sqrt(d))
    recip = 1.0 / jnp.sum(ph, axis=1, keepdims=True)
    r = lax.broadcasted_iota(jnp.int32, (_BLK // _T, _BLK), 0)
    c = lax.broadcasted_iota(jnp.int32, (_BLK // _T, _BLK), 1)
    avg = jnp.where(c // _T == r, 1.0 / _T, 0.0) * recip.reshape(1, _BLK)
    ph_ref[...] = lax.dot_general(avg, ph, (((1,), (0,)), ((), ())),
                                  preferred_element_type=jnp.float32)
    onehot = (lanes == idx[:, None]).astype(jnp.float32)
    hblk = jnp.sum(onehot, axis=0, keepdims=True)[None]
    first = (i % (_NBLK // 2)) == 0

    @pl.when(first)
    def _init():
        hist_ref[...] = hblk

    @pl.when(jnp.logical_not(first))
    def _acc():
        hist_ref[...] = hist_ref[...] + hblk


def _run_vq(flat, emb, esq):
    return pl.pallas_call(
        _vq_body,
        grid=(_NBLK,),
        in_specs=[
            pl.BlockSpec((_BLK, _D), lambda i: (i, 0)),
            pl.BlockSpec((_M, _D), lambda i: (0, 0)),
            pl.BlockSpec((1, _M), lambda i: (0, 0)),
        ],
        out_specs=[
            pl.BlockSpec((1, 1, _BLK), lambda i: (i, 0, 0)),
            pl.BlockSpec((_BLK // _T, _M), lambda i: (i, 0)),
            pl.BlockSpec((1, 1, _M), lambda i: (i // (_NBLK // 2), 0, 0)),
        ],
        out_shape=[
            jax.ShapeDtypeStruct((_NBLK, 1, _BLK), jnp.int32),
            jax.ShapeDtypeStruct((_TOK // _T, _M), jnp.float32),
            jax.ShapeDtypeStruct((2, 1, _M), jnp.float32),
        ],
    )(flat, emb, esq)



def _sc_body(emb_hbm, idx_hbm, q_hbm, idx_v, rows_v, sem):
    wid = lax.axis_index("s") * 2 + lax.axis_index("c")
    base = wid * _ROWS_W
    pltpu.sync_copy(idx_hbm.at[pl.ds(base, _ROWS_W)], idx_v)
    pltpu.async_copy(emb_hbm.at[idx_v], rows_v, sem).wait()
    pltpu.sync_copy(rows_v, q_hbm.at[pl.ds(base, _ROWS_W)])


def _sc_gather(emb, idx):
    mesh = plsc.VectorSubcoreMesh(core_axis_name="c", subcore_axis_name="s")
    fn = pl.kernel(
        _sc_body, mesh=mesh,
        out_type=jax.ShapeDtypeStruct((_TOK, _D), jnp.float32),
        scratch_types=[
            pltpu.VMEM((_ROWS_W,), jnp.int32),
            pltpu.VMEM((_ROWS_W, _D), jnp.float32),
            pltpu.SemaphoreType.DMA,
        ],
    )
    return fn(emb, idx)



def _epi_body(ph_ref, idx_ref, hist_ref, flat_ref, q_ref,
              cmcm_ref, al_ref, tl_ref, ap_ref, tp_ref, eq_ref):
    apH = ph_ref[:_B, :]
    tpH = ph_ref[_B:, :]
    la = jnp.log(apH + 1e-10)
    lt = jnp.log(tpH + 1e-10)
    dims = (((1,), (1,)), ((), ()))
    S = (lax.dot_general(apH, lt, dims, preferred_element_type=jnp.float32)
         + lax.dot_general(tpH, la, dims, preferred_element_type=jnp.float32))
    E = jnp.exp(S - jnp.min(S))
    Esum = jnp.sum(E, axis=1)
    r = lax.broadcasted_iota(jnp.int32, (_B, _B), 0)
    c = lax.broadcasted_iota(jnp.int32, (_B, _B), 1)
    diag = jnp.sum(jnp.where(r == c, E, 0.0), axis=1)
    cmcm_ref[...] = jnp.reshape(
        -0.5 * jnp.mean(jnp.log(diag / (Esum + 1e-5))), (1, 1))

    a = flat_ref[:_B * _T, :]
    t = flat_ref[_B * _T:, :]
    aq = q_ref[:_B * _T, :]
    tq = q_ref[_B * _T:, :]
    mse = lambda x, y: jnp.mean((x - y) ** 2)
    al_ref[...] = jnp.reshape(0.5 * mse(a, aq) + 0.25 * mse(a, tq), (1, 1))
    tl_ref[...] = jnp.reshape(0.5 * mse(t, tq) + 0.25 * mse(t, aq), (1, 1))

    a_avg = hist_ref[0, :, :] / (_B * _T)
    t_avg = hist_ref[1, :, :] / (_B * _T)
    ap_ref[...] = jnp.reshape(
        jnp.exp(-jnp.sum(a_avg * jnp.log(a_avg + 1e-10))), (1, 1))
    tp_ref[...] = jnp.reshape(
        jnp.exp(-jnp.sum(t_avg * jnp.log(t_avg + 1e-10))), (1, 1))

    iv = idx_ref[...]
    counts = jnp.zeros((2 * _B, _T), jnp.int32)
    for k in range(_T):
        counts = counts + (iv == iv[:, k:k + 1]).astype(jnp.int32)
    maxc = jnp.max(counts, axis=1, keepdims=True)
    mode = jnp.min(jnp.where(counts == maxc, iv, jnp.int32(2 ** 30)),
                   axis=1, keepdims=True)
    eq_ref[...] = jnp.reshape(
        jnp.sum((mode[:_B, :] == mode[_B:, :]).astype(jnp.int32)), (1, 1))


def _run_epi(pH, idx2d, hist, flat, q):
    one = lambda dt: jax.ShapeDtypeStruct((1, 1), dt)
    return pl.pallas_call(
        _epi_body,
        out_shape=[one(jnp.float32), one(jnp.float32), one(jnp.float32),
                   one(jnp.float32), one(jnp.float32), one(jnp.int32)],
    )(pH, idx2d, hist, flat, q)



def kernel(audio_feat, text_feat, epoch, params, embedding):
    del epoch
    a_sem = _self_att(audio_feat, params['a_affine_w'], params['a_affine_b'],
                      params['a_layers'])
    t_sem = _self_att(text_feat, params['t_affine_w'], params['t_affine_b'],
                      params['t_layers'])
    a_flat = a_sem.reshape(-1, _D)
    t_flat = t_sem.reshape(-1, _D)
    flat = jnp.concatenate([a_flat, t_flat], axis=0)
    esq = jnp.sum(embedding * embedding, axis=1)[None, :]

    idx3d, pH, hist = _run_vq(flat, embedding, esq)
    idx = idx3d.reshape(_TOK)
    q = _sc_gather(embedding, idx)

    cmcm, a_loss, t_loss, a_perp, t_perp, equal_num = _run_epi(
        pH, idx.reshape(2 * _B, _T), hist, flat, q)

    a_q = q[:_B * _T].reshape(a_sem.shape)
    t_q = q[_B * _T:].reshape(t_sem.shape)
    return (a_sem, t_sem, a_q, t_q,
            a_loss[0, 0], t_loss[0, 0], a_perp[0, 0], t_perp[0, 0],
            cmcm[0, 0], equal_num[0, 0])

# --- scband reference (transcript-rebuilt; emitter-appended) ---
"""Pipeline reference for scband-at-vqvae-encoder-84774064488650 (READ-ONLY COPY).

The authoritative reference and input builder live on the scoring server;
editing this copy changes nothing except your own understanding.
"""

import jax, jax.numpy as jnp
import numpy as np

B, T, M, D = 64, 32, 8192, 256
AUDIO_DIM, TEXT_DIM = 128, 768
NHEAD, NLAYERS, FF = 4, 2, 2048

def _glorot(key, shape):
    lim = float(np.sqrt(6.0 / (shape[0] + shape[1])))
    return jax.random.uniform(key, shape, jnp.float32, -lim, lim)

def _make_layer(key):
    ks = jax.random.split(key, 4)
    return {
        'w_in': _glorot(ks[0], (3 * D, D)), 'b_in': jnp.zeros((3 * D,), jnp.float32),
        'w_out': _glorot(ks[1], (D, D)), 'b_out': jnp.zeros((D,), jnp.float32),
        'w1': _glorot(ks[2], (FF, D)), 'b1': jnp.zeros((FF,), jnp.float32),
        'w2': _glorot(ks[3], (D, FF)), 'b2': jnp.zeros((D,), jnp.float32),
        'ln1_g': jnp.ones((D,), jnp.float32), 'ln1_b': jnp.zeros((D,), jnp.float32),
        'ln2_g': jnp.ones((D,), jnp.float32), 'ln2_b': jnp.zeros((D,), jnp.float32),
    }

def setup_inputs(seed: int = 0):
    key = jax.random.key(seed)
    ks = jax.random.split(key, 7)
    audio_feat = jax.random.normal(ks[0], (B, T, AUDIO_DIM), jnp.float32)
    text_feat = jax.random.normal(ks[1], (B, T, TEXT_DIM), jnp.float32)
    params = {
        'a_affine_w': _glorot(ks[2], (D, AUDIO_DIM)), 'a_affine_b': jnp.zeros((D,), jnp.float32),
        't_affine_w': _glorot(ks[3], (D, TEXT_DIM)), 't_affine_b': jnp.zeros((D,), jnp.float32),
        'a_layers': [_make_layer(k) for k in jax.random.split(ks[4], NLAYERS)],
        't_layers': [_make_layer(k) for k in jax.random.split(ks[5], NLAYERS)],
    }
    embedding = jax.random.uniform(ks[6], (M, D), jnp.float32, -1.0 / 400, 1.0 / 400)
    return {'audio_feat': audio_feat, 'text_feat': text_feat, 'epoch': 1,
            'params': params, 'embedding': embedding}

def _layernorm(x, g, b):
    mu = jnp.mean(x, -1, keepdims=True)
    var = jnp.var(x, -1, keepdims=True)
    return (x - mu) / jnp.sqrt(var + 1e-5) * g + b

def _mha(x, p):
    Bq, Tq, Dm = x.shape
    qkv = x @ p['w_in'].T + p['b_in']
    q, k, v = jnp.split(qkv, 3, axis=-1)
    hd = Dm // NHEAD
    sh = lambda t: t.reshape(Bq, Tq, NHEAD, hd).transpose(0, 2, 1, 3)
    q, k, v = sh(q), sh(k), sh(v)
    att = jax.nn.softmax(q @ k.transpose(0, 1, 3, 2) / np.sqrt(hd), axis=-1)
    o = (att @ v).transpose(0, 2, 1, 3).reshape(Bq, Tq, Dm)
    return o @ p['w_out'].T + p['b_out']

def _encoder_layer(x, p):
    x = _layernorm(x + _mha(x, p), p['ln1_g'], p['ln1_b'])
    ff = jax.nn.relu(x @ p['w1'].T + p['b1']) @ p['w2'].T + p['b2']
    return _layernorm(x + ff, p['ln2_g'], p['ln2_b'])

def _self_att(feat, w, b, layers):
    x = feat @ w.T + b
    for p in layers:
        x = _encoder_layer(x, p)
    return x

def _distances(flat, emb):
    return jnp.sum(emb ** 2, axis=1) + jnp.sum(flat ** 2, axis=1, keepdims=True) - 2.0 * (flat @ emb.T)

def _mode_rows(idx2d, length):
    def one(r):
        return jnp.argmax(jnp.bincount(r, length=length))
    return jax.vmap(one)(idx2d)

def reference(audio_feat, text_feat, epoch, params, embedding):
    a_sem = _self_att(audio_feat, params['a_affine_w'], params['a_affine_b'], params['a_layers'])
    t_sem = _self_att(text_feat, params['t_affine_w'], params['t_affine_b'], params['t_layers'])
    Bq, Tq, Dm = a_sem.shape
    Mq = embedding.shape[0]
    a_flat = jax.lax.stop_gradient(a_sem).reshape(-1, Dm)
    t_flat = jax.lax.stop_gradient(t_sem).reshape(-1, Dm)
    a_dist = _distances(a_flat, embedding)
    t_dist = _distances(t_flat, embedding)
    a_dist_g = _distances(a_sem.reshape(-1, Dm), embedding)
    t_dist_g = _distances(t_sem.reshape(-1, Dm), embedding)
    a_ph = jax.nn.softmax(-jnp.sqrt(a_dist_g), axis=1)
    t_ph = jax.nn.softmax(-jnp.sqrt(t_dist_g), axis=1)
    a_pH = jnp.mean(a_ph.reshape(Bq, Tq, Mq), axis=1)
    t_pH = jnp.mean(t_ph.reshape(Bq, Tq, Mq), axis=1)
    Scode = a_pH @ jnp.log(t_pH.T + 1e-10) + t_pH @ jnp.log(a_pH.T + 1e-10)
    MaxScode = jnp.max(-Scode)
    EScode = jnp.exp(Scode + MaxScode)
    EScode_sum = jnp.sum(EScode, axis=1)
    Lcmcm = -jnp.mean(jnp.log(jnp.diag(EScode) / (EScode_sum + 1e-05)))
    a_idx = jnp.argmin(a_dist, axis=-1)
    t_idx = jnp.argmin(t_dist, axis=-1)
    a_enc = jax.nn.one_hot(a_idx, Mq, dtype=jnp.float32)
    t_enc = jax.nn.one_hot(t_idx, Mq, dtype=jnp.float32)
    a_q = jnp.take(embedding, a_idx, axis=0).reshape(a_sem.shape)
    t_q = jnp.take(embedding, t_idx, axis=0).reshape(t_sem.shape)
    a_mode = _mode_rows(a_idx.reshape(Bq, Tq), Mq)
    t_mode = _mode_rows(t_idx.reshape(Bq, Tq), Mq)
    equal_num = jnp.sum(a_mode == t_mode)
    cmcm_loss = 0.5 * Lcmcm
    mse = lambda x, y: jnp.mean((x - y) ** 2)
    a_loss = 0.25 * 2.0 * mse(a_sem, jax.lax.stop_gradient(a_q)) + 0.25 * mse(a_sem, jax.lax.stop_gradient(t_q))
    t_loss = 0.25 * 2.0 * mse(t_sem, jax.lax.stop_gradient(t_q)) + 0.25 * mse(t_sem, jax.lax.stop_gradient(a_q))
    a_q_st = a_sem + jax.lax.stop_gradient(a_q - a_sem)
    t_q_st = t_sem + jax.lax.stop_gradient(t_q - t_sem)
    a_avg = jnp.mean(a_enc, axis=0)
    a_perp = jnp.exp(-jnp.sum(a_avg * jnp.log(a_avg + 1e-10)))
    t_avg = jnp.mean(t_enc, axis=0)
    t_perp = jnp.exp(-jnp.sum(t_avg * jnp.log(t_avg + 1e-10)))
    return (a_sem, t_sem, a_q_st, t_q_st, a_loss, t_loss, a_perp, t_perp, cmcm_loss, equal_num)

if __name__ == "__main__":
    import jax
    _d = setup_inputs()
    print(jax.jit(kernel)(*tuple(_d.values())))

</pallas_src>

<mosaic_0001>
#map = affine_map<(d0, d1) -> (0, 0)>
#map1 = affine_map<(d0, d1) -> (0)>
module attributes {stable_mosaic.version = 14 : i64} {
  func.func @_sc_body(%arg0: i32, %arg1: i32, %arg2: memref<8192x256xf32, #tpu.memory_space<hbm>>, %arg3: memref<4096xi32, #tpu.memory_space<hbm>>, %arg4: memref<4096x256xf32, #tpu.memory_space<hbm>>, %arg5: memref<128xi32, #tpu.memory_space<vmem>>, %arg6: memref<128x256xf32, #tpu.memory_space<vmem>>, %arg7: memref<!tpu.dma_semaphore, #tpu.memory_space<semaphore_mem>>) attributes {dimension_semantics = [#tpu.dimension_semantics<core_parallel>, #tpu.dimension_semantics<subcore_parallel>], iteration_bounds = array<i64: 2, 16>, scalar_prefetch = 0 : i64, scratch_operands = 3 : i64, tpu.core_type = #tpu.core_type<sc_vector_subcore>, window_params = [{transform_indices = #map}, {transform_indices = #map1}, {transform_indices = #map}]} {
    %mul3A = arith.constant 2 : i32
    %mul3A_0 = arith.muli %arg1, %mul3A : i32
    %add3A = arith.addi %mul3A_0, %arg0 : i32
    %mul3A_1 = arith.constant 128 : i32
    %mul3A_2 = arith.muli %add3A, %mul3A_1 : i32
    "tpu.region"() ({
      %run_scoped3A = tpu.sem_alloc : memref<!tpu.dma_semaphore, #tpu.memory_space<semaphore_mem>>
      %dma_start3A_7 = tpu.memref_slice %arg3[%mul3A_2] : memref<4096xi32, #tpu.memory_space<hbm>> -> memref<128xi32, #tpu.memory_space<hbm>>
      %dma_start3A_8 = tpu.memref_slice %arg3[%mul3A_2] : memref<4096xi32, #tpu.memory_space<hbm>> -> memref<128xi32, #tpu.memory_space<hbm>>
      tpu.enqueue_dma source(%dma_start3A_8 : memref<128xi32, #tpu.memory_space<hbm>>) target(%arg5 : memref<128xi32, #tpu.memory_space<vmem>>) target_semaphore(%run_scoped3A : memref<!tpu.dma_semaphore, #tpu.memory_space<semaphore_mem>>)
      %dma_wait3A_9 = tpu.memref_slice %arg3[%mul3A_2] : memref<4096xi32, #tpu.memory_space<hbm>> -> memref<128xi32, #tpu.memory_space<hbm>>
      %dma_wait3A_10 = tpu.memref_slice %arg3[%mul3A_2] : memref<4096xi32, #tpu.memory_space<hbm>> -> memref<128xi32, #tpu.memory_space<hbm>>
      tpu.wait_dma2 semaphore(%run_scoped3A : memref<!tpu.dma_semaphore, #tpu.memory_space<semaphore_mem>>) src(%dma_wait3A_10 : memref<128xi32, #tpu.memory_space<hbm>>) dst(%arg5 : memref<128xi32, #tpu.memory_space<vmem>>)
      tpu.yield
    }) : () -> ()
    %dma_start3A = arith.constant 0 : i32
    %dma_start3A_3 = arith.constant 0 : i32
    %dma_start3A_4 = tpu.memref_slice %arg2[%dma_start3A, %dma_start3A_3] : memref<8192x256xf32, #tpu.memory_space<hbm>> -> memref<8192x256xf32, #tpu.memory_space<hbm>>
    tpu.enqueue_indirect_dma source(%dma_start3A_4 : memref<8192x256xf32, #tpu.memory_space<hbm>>) target(%arg6 : memref<128x256xf32, #tpu.memory_space<vmem>>) offsets(%arg5 : memref<128xi32, #tpu.memory_space<vmem>>) semaphore(%arg7 : memref<!tpu.dma_semaphore, #tpu.memory_space<semaphore_mem>>)
    %dma_wait3A = arith.constant 0 : i32
    %dma_wait3A_5 = arith.constant 0 : i32
    %dma_wait3A_6 = tpu.memref_slice %arg2[%dma_wait3A, %dma_wait3A_5] : memref<8192x256xf32, #tpu.memory_space<hbm>> -> memref<8192x256xf32, #tpu.memory_space<hbm>>
    tpu.wait_indirect_dma semaphore(%arg7 : memref<!tpu.dma_semaphore, #tpu.memory_space<semaphore_mem>>) src(%dma_wait3A_6 : memref<8192x256xf32, #tpu.memory_space<hbm>>) dst(%arg6 : memref<128x256xf32, #tpu.memory_space<vmem>>)
    "tpu.region"() ({
      %run_scoped3A = tpu.sem_alloc : memref<!tpu.dma_semaphore, #tpu.memory_space<semaphore_mem>>
      %dma_start3A_7 = arith.constant 0 : i32
      %dma_start3A_8 = tpu.memref_slice %arg4[%mul3A_2, %dma_start3A_7] : memref<4096x256xf32, #tpu.memory_space<hbm>> -> memref<128x256xf32, #tpu.memory_space<hbm>>
      %dma_start3A_9 = arith.constant 0 : i32
      %dma_start3A_10 = tpu.memref_slice %arg4[%mul3A_2, %dma_start3A_9] : memref<4096x256xf32, #tpu.memory_space<hbm>> -> memref<128x256xf32, #tpu.memory_space<hbm>>
      tpu.enqueue_dma source(%arg6 : memref<128x256xf32, #tpu.memory_space<vmem>>) target(%dma_start3A_10 : memref<128x256xf32, #tpu.memory_space<hbm>>) target_semaphore(%run_scoped3A : memref<!tpu.dma_semaphore, #tpu.memory_space<semaphore_mem>>)
      %dma_wait3A_11 = arith.constant 0 : i32
      %dma_wait3A_12 = tpu.memref_slice %arg4[%mul3A_2, %dma_wait3A_11] : memref<4096x256xf32, #tpu.memory_space<hbm>> -> memref<128x256xf32, #tpu.memory_space<hbm>>
      %dma_wait3A_13 = arith.constant 0 : i32
      %dma_wait3A_14 = tpu.memref_slice %arg4[%mul3A_2, %dma_wait3A_13] : memref<4096x256xf32, #tpu.memory_space<hbm>> -> memref<128x256xf32, #tpu.memory_space<hbm>>
      tpu.wait_dma2 semaphore(%run_scoped3A : memref<!tpu.dma_semaphore, #tpu.memory_space<semaphore_mem>>) src(%arg6 : memref<128x256xf32, #tpu.memory_space<vmem>>) dst(%dma_wait3A_14 : memref<128x256xf32, #tpu.memory_space<hbm>>)
      tpu.yield
    }) : () -> ()
    return
  }
}

module attributes {stable_mosaic.version = 14 : i64} {
  func.func @_vq_body(%arg0: i32, %arg1: memref<512x256xf32, #tpu.memory_space<vmem>>, %arg2: memref<8192x256xf32, #tpu.memory_space<vmem>>, %arg3: memref<1x8192xf32, #tpu.memory_space<vmem>>, %arg4: memref<1x1x512xi32, #tpu.memory_space<vmem>>, %arg5: memref<16x8192xf32, #tpu.memory_space<vmem>>, %arg6: memref<1x1x8192xf32, #tpu.memory_space<vmem>>) attributes {dimension_semantics = [#tpu.dimension_semantics<arbitrary>], iteration_bounds = array<i64: 8>, scalar_prefetch = 0 : i64, scratch_operands = 0 : i64, tpu.core_type = #tpu.core_type<tc>, window_params = [{transform_indices = @transform_0, window_bounds = array<i64: 512, 256>}, {pipeline_mode = #tpu.pipeline_mode<synchronous>, transform_indices = @transform_1, window_bounds = array<i64: 8192, 256>}, {pipeline_mode = #tpu.pipeline_mode<synchronous>, transform_indices = @transform_2, window_bounds = array<i64: 1, 8192>}, {transform_indices = @transform_3, window_bounds = array<i64: 1, 1, 512>}, {transform_indices = @transform_4, window_bounds = array<i64: 16, 8192>}, {transform_indices = @transform_5, window_bounds = array<i64: 1, 1, 8192>}]} {
    %get3A = arith.constant 0 : index
    %get3A_0 = arith.constant 0 : index
    %get3A_1 = vector.load %arg1[%get3A, %get3A_0] : memref<512x256xf32, #tpu.memory_space<vmem>>, vector<512x256xf32>
    %get3A_2 = arith.constant 0 : index
    %get3A_3 = arith.constant 0 : index
    %get3A_4 = vector.load %arg2[%get3A_2, %get3A_3] : memref<8192x256xf32, #tpu.memory_space<vmem>>, vector<8192x256xf32>
    %get3A_5 = arith.constant 0 : index
    %get3A_6 = arith.constant 0 : index
    %get3A_7 = vector.load %arg3[%get3A_5, %get3A_6] : memref<1x8192xf32, #tpu.memory_space<vmem>>, vector<1x8192xf32>
    %convert_element_type3A = arith.truncf %get3A_1 : vector<512x256xf32> to vector<512x256xbf16>
    %convert_element_type3A_8 = arith.truncf %get3A_4 : vector<8192x256xf32> to vector<8192x256xbf16>
    %dot_general3A = arith.constant dense<0.000000e+00> : vector<512x8192xf32>
    %dot_general3A_9 = tpu.matmul %convert_element_type3A, %convert_element_type3A_8, %dot_general3A {dimension_numbers = #tpu.dot_dimension_numbers<[1], [1], [0], [0], [0, 0, 1, 0], [], []>, transpose_lhs_hint = false} : vector<512x256xbf16>, vector<8192x256xbf16>, vector<512x8192xf32> -> vector<512x8192xf32>
    %mul3A = arith.mulf %get3A_1, %get3A_1 : vector<512x256xf32>
    %reduce_sum3A = arith.constant dense<0.000000e+00> : vector<512xf32>
    %reduce_sum3A_10 = vector.multi_reduction <add>, %mul3A, %reduce_sum3A [1] : vector<512x256xf32> to vector<512xf32>
    %broadcast_in_dim3A = vector.shape_cast %reduce_sum3A_10 : vector<512xf32> to vector<512x1xf32>
    %add3A = vector.broadcast %get3A_7 : vector<1x8192xf32> to vector<512x8192xf32>
    %add3A_11 = vector.broadcast %broadcast_in_dim3A : vector<512x1xf32> to vector<512x8192xf32>
    %add3A_12 = arith.addf %add3A, %add3A_11 : vector<512x8192xf32>
    %mul3A_13 = arith.constant 2.000000e+00 : f32
    %mul3A_14 = vector.broadcast %mul3A_13 : f32 to vector<512x8192xf32>
    %mul3A_15 = arith.mulf %mul3A_14, %dot_general3A_9 : vector<512x8192xf32>
    %sub3A = arith.subf %add3A_12, %mul3A_15 : vector<512x8192xf32>
    %max3A = arith.constant 0.000000e+00 : f32
    %max3A_16 = vector.broadcast %max3A : f32 to vector<512x8192xf32>
    %max3A_17 = arith.maximumf %sub3A, %max3A_16 : vector<512x8192xf32>
    %reduce_min3A = arith.constant dense<0x7F800000> : vector<512xf32>
    %reduce_min3A_18 = vector.multi_reduction <minimumf>, %max3A_17, %reduce_min3A [1] : vector<512x8192xf32> to vector<512xf32>
    %broadcast_in_dim3A_19 = vector.shape_cast %reduce_min3A_18 : vector<512xf32> to vector<512x1xf32>
    %iota3A = tpu.iota {dimensions = array<i32: 1>} : vector<512x8192xi32>
    %eq3A = vector.broadcast %broadcast_in_dim3A_19 : vector<512x1xf32> to vector<512x8192xf32>
    %eq3A_20 = arith.cmpf oeq, %max3A_17, %eq3A : vector<512x8192xf32>
    %jit3A = arith.constant 8192 : i32
    %broadcast_in_dim3A_21 = vector.broadcast %jit3A : i32 to vector<512x8192xi32>
    %select_n3A = arith.select %eq3A_20, %iota3A, %broadcast_in_dim3A_21 : vector<512x8192xi1>, vector<512x8192xi32>
    %reduce_min3A_22 = arith.constant dense<2147483647> : vector<512xi32>
    %reduce_min3A_23 = vector.multi_reduction <minsi>, %select_n3A, %reduce_min3A_22 [1] : vector<512x8192xi32> to vector<512xi32>
    %swap3A = arith.constant 0 : index
    %swap3A_24 = arith.constant 0 : index
    %swap3A_25 = arith.constant 0 : index
    %swap3A_26 = vector.load %arg4[%swap3A, %swap3A_24, %swap3A_25] : memref<1x1x512xi32, #tpu.memory_space<vmem>>, vector<1x1x512xi32>
    %swap3A_27 = vector.shape_cast %swap3A_26 : vector<1x1x512xi32> to vector<512xi32>
    %swap3A_28 = vector.shape_cast %reduce_min3A_23 : vector<512xi32> to vector<1x1x512xi32>
    tpu.vector_store %arg4[%swap3A, %swap3A_24, %swap3A_25], %swap3A_28 {strides = array<i32>} : memref<1x1x512xi32, #tpu.memory_space<vmem>>, vector<1x1x512xi32>,
    %sqrt3A = math.sqrt %broadcast_in_dim3A_19 : vector<512x1xf32>
    %sqrt3A_29 = math.sqrt %max3A_17 : vector<512x8192xf32>
    %sub3A_30 = vector.broadcast %sqrt3A : vector<512x1xf32> to vector<512x8192xf32>
    %sub3A_31 = arith.subf %sub3A_30, %sqrt3A_29 : vector<512x8192xf32>
    %exp3A = math.exp %sub3A_31 : vector<512x8192xf32>
    %reduce_sum3A_32 = arith.constant dense<0.000000e+00> : vector<512xf32>
    %reduce_sum3A_33 = vector.multi_reduction <add>, %exp3A, %reduce_sum3A_32 [1] : vector<512x8192xf32> to vector<512xf32>
    %broadcast_in_dim3A_34 = vector.shape_cast %reduce_sum3A_33 : vector<512xf32> to vector<512x1xf32>
    %div3A = arith.constant 1.000000e+00 : f32
    %div3A_35 = vector.broadcast %div3A : f32 to vector<512x1xf32>
    %div3A_36 = arith.divf %div3A_35, %broadcast_in_dim3A_34 : vector<512x1xf32>
    %iota3A_37 = tpu.iota {dimensions = array<i32: 0>} : vector<16x512xi32>
    %iota3A_38 = tpu.iota {dimensions = array<i32: 1>} : vector<16x512xi32>
    %jit3A_39 = arith.constant 32 : i32
    %div3A_40 = vector.broadcast %jit3A_39 : i32 to vector<16x512xi32>
    %div3A_41 = arith.divsi %iota3A_38, %div3A_40 : vector<16x512xi32>
    %sign3A = arith.constant 0 : i32
    %sign3A_42 = vector.broadcast %sign3A : i32 to vector<16x512xi32>
    %sign3A_43 = arith.cmpi sgt, %iota3A_38, %sign3A_42 : vector<16x512xi32>
    %sign3A_44 = arith.extui %sign3A_43 : vector<16x512xi1> to vector<16x512xi32>
    %sign3A_45 = arith.constant 0 : i32
    %sign3A_46 = vector.broadcast %sign3A_45 : i32 to vector<16x512xi32>
    %sign3A_47 = arith.cmpi slt, %iota3A_38, %sign3A_46 : vector<16x512xi32>
    %sign3A_48 = arith.extui %sign3A_47 : vector<16x512xi1> to vector<16x512xi32>
    %sign3A_49 = arith.subi %sign3A_44, %sign3A_48 : vector<16x512xi32>
    %sign3A_50 = arith.constant 0 : i32
    %sign3A_51 = arith.cmpi sgt, %jit3A_39, %sign3A_50 : i32
    %sign3A_52 = arith.extui %sign3A_51 : i1 to i32
    %sign3A_53 = arith.constant 0 : i32
    %sign3A_54 = arith.cmpi slt, %jit3A_39, %sign3A_53 : i32
    %sign3A_55 = arith.extui %sign3A_54 : i1 to i32
    %sign3A_56 = arith.subi %sign3A_52, %sign3A_55 : i32
    %ne3A = vector.broadcast %sign3A_56 : i32 to vector<16x512xi32>
    %ne3A_57 = arith.cmpi ne, %sign3A_49, %ne3A : vector<16x512xi32>
    %rem3A = vector.broadcast %jit3A_39 : i32 to vector<16x512xi32>
    %rem3A_58 = arith.remsi %iota3A_38, %rem3A : vector<16x512xi32>
    %ne3A_59 = arith.constant 0 : i32
    %ne3A_60 = vector.broadcast %ne3A_59 : i32 to vector<16x512xi32>
    %ne3A_61 = arith.cmpi ne, %rem3A_58, %ne3A_60 : vector<16x512xi32>
    %and3A = arith.andi %ne3A_57, %ne3A_61 : vector<16x512xi1>
    %sub3A_62 = arith.constant 1 : i32
    %sub3A_63 = vector.broadcast %sub3A_62 : i32 to vector<16x512xi32>
    %sub3A_64 = arith.subi %div3A_41, %sub3A_63 : vector<16x512xi32>
    %select_n3A_65 = arith.select %and3A, %sub3A_64, %div3A_41 : vector<16x512xi1>, vector<16x512xi32>
    %eq3A_66 = arith.cmpi eq, %select_n3A_65, %iota3A_37 : vector<16x512xi32>
    %jit3A_67 = arith.constant 3.125000e-02 : f32
    %jit3A_68 = arith.constant 0.000000e+00 : f32
    %broadcast_in_dim3A_69 = vector.broadcast %jit3A_67 : f32 to vector<16x512xf32>
    %broadcast_in_dim3A_70 = vector.broadcast %jit3A_68 : f32 to vector<16x512xf32>
    %select_n3A_71 = arith.select %eq3A_66, %broadcast_in_dim3A_69, %broadcast_in_dim3A_70 : vector<16x512xi1>, vector<16x512xf32>
    %reshape3A = vector.shape_cast %div3A_36 : vector<512x1xf32> to vector<1x512xf32>
    %mul3A_72 = vector.broadcast %reshape3A : vector<1x512xf32> to vector<16x512xf32>
    %mul3A_73 = arith.mulf %select_n3A_71, %mul3A_72 : vector<16x512xf32>
    %dot_general3A_74 = arith.constant dense<0.000000e+00> : vector<16x8192xf32>
    %dot_general3A_75 = tpu.matmul %mul3A_73, %exp3A, %dot_general3A_74 {dimension_numbers = #tpu.dot_dimension_numbers<[1], [0], [0], [1], [0, 0, 1, 1], [], []>, transpose_lhs_hint = false} : vector<16x512xf32>, vector<512x8192xf32>, vector<16x8192xf32> -> vector<16x8192xf32>
    %swap3A_76 = arith.constant 0 : index
    %swap3A_77 = arith.constant 0 : index
    %swap3A_78 = vector.load %arg5[%swap3A_76, %swap3A_77] : memref<16x8192xf32, #tpu.memory_space<vmem>>, vector<16x8192xf32>
    tpu.vector_store %arg5[%swap3A_76, %swap3A_77], %dot_general3A_75 {strides = array<i32>} : memref<16x8192xf32, #tpu.memory_space<vmem>>, vector<16x8192xf32>,
    %broadcast_in_dim3A_79 = vector.shape_cast %reduce_min3A_23 : vector<512xi32> to vector<512x1xi32>
    %eq3A_80 = vector.broadcast %broadcast_in_dim3A_79 : vector<512x1xi32> to vector<512x8192xi32>
    %eq3A_81 = arith.cmpi eq, %iota3A, %eq3A_80 : vector<512x8192xi32>
    %convert_element_type3A_82 = arith.extui %eq3A_81 : vector<512x8192xi1> to vector<512x8192xi32>
    %convert_element_type3A_83 = arith.sitofp %convert_element_type3A_82 : vector<512x8192xi32> to vector<512x8192xf32>
    %reduce_sum3A_84 = arith.constant dense<0.000000e+00> : vector<8192xf32>
    %reduce_sum3A_85 = vector.multi_reduction <add>, %convert_element_type3A_83, %reduce_sum3A_84 [0] : vector<512x8192xf32> to vector<8192xf32>
    %broadcast_in_dim3A_86 = vector.shape_cast %reduce_sum3A_85 : vector<8192xf32> to vector<1x8192xf32>
    %broadcast_in_dim3A_87 = vector.shape_cast %broadcast_in_dim3A_86 : vector<1x8192xf32> to vector<1x1x8192xf32>
    %jit3A_88 = arith.constant 4 : i32
    %eq3A_89 = arith.constant 0 : i32
    %eq3A_90 = arith.cmpi eq, %jit3A_88, %eq3A_89 : i32
    %jit3A_91 = arith.constant 1 : i32
    %select_n3A_92 = arith.select %eq3A_90, %jit3A_91, %jit3A_88 : i32
    %rem3A_93 = arith.remsi %arg0, %select_n3A_92 : i32
    %ne3A_94 = arith.constant 0 : i32
    %ne3A_95 = arith.cmpi ne, %rem3A_93, %ne3A_94 : i32
    %lt3A = arith.constant 0 : i32
    %lt3A_96 = arith.cmpi slt, %rem3A_93, %lt3A : i32
    %lt3A_97 = arith.constant 0 : i32
    %lt3A_98 = arith.cmpi slt, %select_n3A_92, %lt3A_97 : i32
    %ne3A_99 = arith.xori %lt3A_96, %lt3A_98 : i1
    %and3A_100 = arith.andi %ne3A_99, %ne3A_95 : i1
    %add3A_101 = arith.addi %rem3A_93, %select_n3A_92 : i32
    %select_n3A_102 = arith.select %and3A_100, %add3A_101, %rem3A_93 : i32
    %eq3A_103 = arith.constant 0 : i32
    %eq3A_104 = arith.cmpi eq, %select_n3A_102, %eq3A_103 : i32
    %convert_element_type3A_105 = arith.extui %eq3A_104 : i1 to i32
    %cond3A = arith.constant 0 : i32
    %cond3A_106 = arith.cmpi ne, %convert_element_type3A_105, %cond3A : i32
    scf.if %cond3A_106 {
      %swap3A_111 = arith.constant 0 : index
      %swap3A_112 = arith.constant 0 : index
      %swap3A_113 = arith.constant 0 : index
      %swap3A_114 = vector.load %arg6[%swap3A_111, %swap3A_112, %swap3A_113] : memref<1x1x8192xf32, #tpu.memory_space<vmem>>, vector<1x1x8192xf32>
      tpu.vector_store %arg6[%swap3A_111, %swap3A_112, %swap3A_113], %broadcast_in_dim3A_87 {strides = array<i32>} : memref<1x1x8192xf32, #tpu.memory_space<vmem>>, vector<1x1x8192xf32>,
    } else {
    }
    %not3A = arith.constant true
    %not3A_107 = arith.xori %eq3A_104, %not3A : i1
    %convert_element_type3A_108 = arith.extui %not3A_107 : i1 to i32
    %cond3A_109 = arith.constant 0 : i32
    %cond3A_110 = arith.cmpi ne, %convert_element_type3A_108, %cond3A_109 : i32
    scf.if %cond3A_110 {
      %get3A_111 = arith.constant 0 : index
      %get3A_112 = arith.constant 0 : index
      %get3A_113 = arith.constant 0 : index
      %get3A_114 = vector.load %arg6[%get3A_111, %get3A_112, %get3A_113] : memref<1x1x8192xf32, #tpu.memory_space<vmem>>, vector<1x1x8192xf32>
      %add3A_115 = arith.addf %get3A_114, %broadcast_in_dim3A_87 : vector<1x1x8192xf32>
      %swap3A_116 = arith.constant 0 : index
      %swap3A_117 = arith.constant 0 : index
      %swap3A_118 = arith.constant 0 : index
      %swap3A_119 = vector.load %arg6[%swap3A_116, %swap3A_117, %swap3A_118] : memref<1x1x8192xf32, #tpu.memory_space<vmem>>, vector<1x1x8192xf32>
      tpu.vector_store %arg6[%swap3A_116, %swap3A_117, %swap3A_118], %add3A_115 {strides = array<i32>} : memref<1x1x8192xf32, #tpu.memory_space<vmem>>, vector<1x1x8192xf32>,
    } else {
    }
    return
  }
  func.func @transform_0(%arg0: i32) -> (i32, i32) {
    %c0_i32 = arith.constant 0 : i32
    %c0_i32_0 = arith.constant 0 : i32
    return %arg0, %c0_i32 : i32, i32
  }
  func.func @transform_1(%arg0: i32) -> (i32, i32) {
    %c0_i32 = arith.constant 0 : i32
    %c0_i32_0 = arith.constant 0 : i32
    %c0_i32_1 = arith.constant 0 : i32
    return %c0_i32, %c0_i32_0 : i32, i32
  }
  func.func @transform_2(%arg0: i32) -> (i32, i32) {
    %c0_i32 = arith.constant 0 : i32
    %c0_i32_0 = arith.constant 0 : i32
    %c0_i32_1 = arith.constant 0 : i32
    return %c0_i32, %c0_i32_0 : i32, i32
  }
  func.func @transform_3(%arg0: i32) -> (i32, i32, i32) {
    %c0_i32 = arith.constant 0 : i32
    %c0_i32_0 = arith.constant 0 : i32
    %c0_i32_1 = arith.constant 0 : i32
    return %arg0, %c0_i32, %c0_i32_0 : i32, i32, i32
  }
  func.func @transform_4(%arg0: i32) -> (i32, i32) {
    %c0_i32 = arith.constant 0 : i32
    %c0_i32_0 = arith.constant 0 : i32
    return %arg0, %c0_i32 : i32, i32
  }
  func.func @transform_5(%arg0: i32) -> (i32, i32, i32) {
    %jit3A = arith.constant 4 : i32
    %div3A = arith.divsi %arg0, %jit3A : i32
    %sign3A = arith.constant 0 : i32
    %sign3A_0 = arith.cmpi sgt, %arg0, %sign3A : i32
    %sign3A_1 = arith.extui %sign3A_0 : i1 to i32
    %sign3A_2 = arith.constant 0 : i32
    %sign3A_3 = arith.cmpi slt, %arg0, %sign3A_2 : i32
    %sign3A_4 = arith.extui %sign3A_3 : i1 to i32
    %sign3A_5 = arith.subi %sign3A_1, %sign3A_4 : i32
    %sign3A_6 = arith.constant 0 : i32
    %sign3A_7 = arith.cmpi sgt, %jit3A, %sign3A_6 : i32
    %sign3A_8 = arith.extui %sign3A_7 : i1 to i32
    %sign3A_9 = arith.constant 0 : i32
    %sign3A_10 = arith.cmpi slt, %jit3A, %sign3A_9 : i32
    %sign3A_11 = arith.extui %sign3A_10 : i1 to i32
    %sign3A_12 = arith.subi %sign3A_8, %sign3A_11 : i32
    %ne3A = arith.cmpi ne, %sign3A_5, %sign3A_12 : i32
    %rem3A = arith.remsi %arg0, %jit3A : i32
    %ne3A_13 = arith.constant 0 : i32
    %ne3A_14 = arith.cmpi ne, %rem3A, %ne3A_13 : i32
    %and3A = arith.andi %ne3A, %ne3A_14 : i1
    %sub3A = arith.constant 1 : i32
    %sub3A_15 = arith.subi %div3A, %sub3A : i32
    %select_n3A = arith.select %and3A, %sub3A_15, %div3A : i32
    %c0_i32 = arith.constant 0 : i32
    %c0_i32_16 = arith.constant 0 : i32
    %c0_i32_17 = arith.constant 0 : i32
    return %select_n3A, %c0_i32, %c0_i32_16 : i32, i32, i32
  }
}

module attributes {stable_mosaic.version = 14 : i64} {
  func.func @_epi_body(%arg0: memref<128x8192xf32, #tpu.memory_space<vmem>>, %arg1: memref<128x32xi32, #tpu.memory_space<vmem>>, %arg2: memref<2x1x8192xf32, #tpu.memory_space<vmem>>, %arg3: memref<4096x256xf32, #tpu.memory_space<vmem>>, %arg4: memref<4096x256xf32, #tpu.memory_space<vmem>>, %arg5: memref<1x1xf32, #tpu.memory_space<vmem>>, %arg6: memref<1x1xf32, #tpu.memory_space<vmem>>, %arg7: memref<1x1xf32, #tpu.memory_space<vmem>>, %arg8: memref<1x1xf32, #tpu.memory_space<vmem>>, %arg9: memref<1x1xf32, #tpu.memory_space<vmem>>, %arg10: memref<1x1xi32, #tpu.memory_space<vmem>>) attributes {dimension_semantics = [], scalar_prefetch = 0 : i64, scratch_operands = 0 : i64, tpu.core_type = #tpu.core_type<tc>} {
    %get3A = arith.constant 0 : index
    %get3A_0 = arith.constant 0 : index
    %get3A_1 = vector.load %arg0[%get3A, %get3A_0] : memref<128x8192xf32, #tpu.memory_space<vmem>>, vector<64x8192xf32>
    %get3A_2 = arith.constant 64 : index
    %get3A_3 = arith.constant 0 : index
    %get3A_4 = vector.load %arg0[%get3A_2, %get3A_3] : memref<128x8192xf32, #tpu.memory_space<vmem>>, vector<64x8192xf32>
    %add3A = arith.constant 1.000000e-10 : f32
    %add3A_5 = vector.broadcast %add3A : f32 to vector<64x8192xf32>
    %add3A_6 = arith.addf %get3A_1, %add3A_5 : vector<64x8192xf32>
    %log3A = math.log %add3A_6 : vector<64x8192xf32>
    %add3A_7 = arith.constant 1.000000e-10 : f32
    %add3A_8 = vector.broadcast %add3A_7 : f32 to vector<64x8192xf32>
    %add3A_9 = arith.addf %get3A_4, %add3A_8 : vector<64x8192xf32>
    %log3A_10 = math.log %add3A_9 : vector<64x8192xf32>
    %dot_general3A = arith.constant dense<0.000000e+00> : vector<64x64xf32>
    %dot_general3A_11 = tpu.matmul %get3A_1, %log3A_10, %dot_general3A {dimension_numbers = #tpu.dot_dimension_numbers<[1], [1], [0], [0], [0, 0, 1, 0], [], []>, transpose_lhs_hint = false} : vector<64x8192xf32>, vector<64x8192xf32>, vector<64x64xf32> -> vector<64x64xf32>
    %dot_general3A_12 = arith.constant dense<0.000000e+00> : vector<64x64xf32>
    %dot_general3A_13 = tpu.matmul %get3A_4, %log3A, %dot_general3A_12 {dimension_numbers = #tpu.dot_dimension_numbers<[1], [1], [0], [0], [0, 0, 1, 0], [], []>, transpose_lhs_hint = false} : vector<64x8192xf32>, vector<64x8192xf32>, vector<64x64xf32> -> vector<64x64xf32>
    %add3A_14 = arith.addf %dot_general3A_11, %dot_general3A_13 : vector<64x64xf32>
    %reduce_min3A = vector.shape_cast %add3A_14 : vector<64x64xf32> to vector<1x64x64xf32>
    %reduce_min3A_15 = arith.constant dense<0x7F800000> : vector<1xf32>
    %reduce_min3A_16 = vector.multi_reduction <minimumf>, %reduce_min3A, %reduce_min3A_15 [1, 2] : vector<1x64x64xf32> to vector<1xf32>
    %reduce_min3A_17 = vector.shape_cast %reduce_min3A_16 : vector<1xf32> to vector<1x1x1xf32>
    %reduce_min3A_18 = vector.extract %reduce_min3A_17[0, 0, 0] : f32 from vector<1x1x1xf32>
    %sub3A = vector.broadcast %reduce_min3A_18 : f32 to vector<64x64xf32>
    %sub3A_19 = arith.subf %add3A_14, %sub3A : vector<64x64xf32>
    %exp3A = math.exp %sub3A_19 : vector<64x64xf32>
    %reduce_sum3A = arith.constant dense<0.000000e+00> : vector<64xf32>
    %reduce_sum3A_20 = vector.multi_reduction <add>, %exp3A, %reduce_sum3A [1] : vector<64x64xf32> to vector<64xf32>
    %iota3A = tpu.iota {dimensions = array<i32: 0>} : vector<64x64xi32>
    %iota3A_21 = tpu.iota {dimensions = array<i32: 1>} : vector<64x64xi32>
    %eq3A = arith.cmpi eq, %iota3A, %iota3A_21 : vector<64x64xi32>
    %jit3A = arith.constant 0.000000e+00 : f32
    %broadcast_in_dim3A = vector.broadcast %jit3A : f32 to vector<64x64xf32>
    %select_n3A = arith.select %eq3A, %exp3A, %broadcast_in_dim3A : vector<64x64xi1>, vector<64x64xf32>
    %reduce_sum3A_22 = arith.constant dense<0.000000e+00> : vector<64xf32>
    %reduce_sum3A_23 = vector.multi_reduction <add>, %select_n3A, %reduce_sum3A_22 [1] : vector<64x64xf32> to vector<64xf32>
    %add3A_24 = arith.constant 9.99999974E-6 : f32
    %add3A_25 = vector.broadcast %add3A_24 : f32 to vector<64xf32>
    %add3A_26 = arith.addf %reduce_sum3A_20, %add3A_25 : vector<64xf32>
    %div3A = arith.divf %reduce_sum3A_23, %add3A_26 : vector<64xf32>
    %log3A_27 = math.log %div3A : vector<64xf32>
    %reduce_sum3A_28 = vector.shape_cast %log3A_27 : vector<64xf32> to vector<1x64xf32>
    %reduce_sum3A_29 = arith.constant dense<0.000000e+00> : vector<1xf32>
    %reduce_sum3A_30 = vector.multi_reduction <add>, %reduce_sum3A_28, %reduce_sum3A_29 [1] : vector<1x64xf32> to vector<1xf32>
    %reduce_sum3A_31 = vector.shape_cast %reduce_sum3A_30 : vector<1xf32> to vector<1x1xf32>
    %reduce_sum3A_32 = vector.extract %reduce_sum3A_31[0, 0] : f32 from vector<1x1xf32>
    %div3A_33 = arith.constant 6.400000e+01 : f32
    %div3A_34 = arith.divf %reduce_sum3A_32, %div3A_33 : f32
    %mul3A = arith.constant -5.000000e-01 : f32
    %mul3A_35 = arith.mulf %mul3A, %div3A_34 : f32
    %reshape3A = vector.broadcast %mul3A_35 : f32 to vector<1x1xf32>
    %swap3A = arith.constant 0 : index
    %swap3A_36 = arith.constant 0 : index
    %swap3A_37 = vector.load %arg5[%swap3A, %swap3A_36] : memref<1x1xf32, #tpu.memory_space<vmem>>, vector<1x1xf32>
    tpu.vector_store %arg5[%swap3A, %swap3A_36], %reshape3A {strides = array<i32>} : memref<1x1xf32, #tpu.memory_space<vmem>>, vector<1x1xf32>,
    %get3A_38 = arith.constant 0 : index
    %get3A_39 = arith.constant 0 : index
    %get3A_40 = vector.load %arg3[%get3A_38, %get3A_39] : memref<4096x256xf32, #tpu.memory_space<vmem>>, vector<2048x256xf32>
    %get3A_41 = arith.constant 2048 : index
    %get3A_42 = arith.constant 0 : index
    %get3A_43 = vector.load %arg3[%get3A_41, %get3A_42] : memref<4096x256xf32, #tpu.memory_space<vmem>>, vector<2048x256xf32>
    %get3A_44 = arith.constant 0 : index
    %get3A_45 = arith.constant 0 : index
    %get3A_46 = vector.load %arg4[%get3A_44, %get3A_45] : memref<4096x256xf32, #tpu.memory_space<vmem>>, vector<2048x256xf32>
    %get3A_47 = arith.constant 2048 : index
    %get3A_48 = arith.constant 0 : index
    %get3A_49 = vector.load %arg4[%get3A_47, %get3A_48] : memref<4096x256xf32, #tpu.memory_space<vmem>>, vector<2048x256xf32>
    %sub3A_50 = arith.subf %get3A_40, %get3A_46 : vector<2048x256xf32>
    %integer_pow3A = arith.mulf %sub3A_50, %sub3A_50 : vector<2048x256xf32>
    %reduce_sum3A_51 = vector.shape_cast %integer_pow3A : vector<2048x256xf32> to vector<1x2048x256xf32>
    %reduce_sum3A_52 = arith.constant dense<0.000000e+00> : vector<1xf32>
    %reduce_sum3A_53 = vector.multi_reduction <add>, %reduce_sum3A_51, %reduce_sum3A_52 [1, 2] : vector<1x2048x256xf32> to vector<1xf32>
    %reduce_sum3A_54 = vector.shape_cast %reduce_sum3A_53 : vector<1xf32> to vector<1x1x1xf32>
    %reduce_sum3A_55 = vector.extract %reduce_sum3A_54[0, 0, 0] : f32 from vector<1x1x1xf32>
    %div3A_56 = arith.constant 5.242880e+05 : f32
    %div3A_57 = arith.divf %reduce_sum3A_55, %div3A_56 : f32
    %mul3A_58 = arith.constant 5.000000e-01 : f32
    %mul3A_59 = arith.mulf %mul3A_58, %div3A_57 : f32
    %sub3A_60 = arith.subf %get3A_40, %get3A_49 : vector<2048x256xf32>
    %integer_pow3A_61 = arith.mulf %sub3A_60, %sub3A_60 : vector<2048x256xf32>
    %reduce_sum3A_62 = vector.shape_cast %integer_pow3A_61 : vector<2048x256xf32> to vector<1x2048x256xf32>
    %reduce_sum3A_63 = arith.constant dense<0.000000e+00> : vector<1xf32>
    %reduce_sum3A_64 = vector.multi_reduction <add>, %reduce_sum3A_62, %reduce_sum3A_63 [1, 2] : vector<1x2048x256xf32> to vector<1xf32>
    %reduce_sum3A_65 = vector.shape_cast %reduce_sum3A_64 : vector<1xf32> to vector<1x1x1xf32>
    %reduce_sum3A_66 = vector.extract %reduce_sum3A_65[0, 0, 0] : f32 from vector<1x1x1xf32>
    %div3A_67 = arith.constant 5.242880e+05 : f32
    %div3A_68 = arith.divf %reduce_sum3A_66, %div3A_67 : f32
    %mul3A_69 = arith.constant 2.500000e-01 : f32
    %mul3A_70 = arith.mulf %mul3A_69, %div3A_68 : f32
    %add3A_71 = arith.addf %mul3A_59, %mul3A_70 : f32
    %reshape3A_72 = vector.broadcast %add3A_71 : f32 to vector<1x1xf32>
    %swap3A_73 = arith.constant 0 : index
    %swap3A_74 = arith.constant 0 : index
    %swap3A_75 = vector.load %arg6[%swap3A_73, %swap3A_74] : memref<1x1xf32, #tpu.memory_space<vmem>>, vector<1x1xf32>
    tpu.vector_store %arg6[%swap3A_73, %swap3A_74], %reshape3A_72 {strides = array<i32>} : memref<1x1xf32, #tpu.memory_space<vmem>>, vector<1x1xf32>,
    %sub3A_76 = arith.subf %get3A_43, %get3A_49 : vector<2048x256xf32>
    %integer_pow3A_77 = arith.mulf %sub3A_76, %sub3A_76 : vector<2048x256xf32>
    %reduce_sum3A_78 = vector.shape_cast %integer_pow3A_77 : vector<2048x256xf32> to vector<1x2048x256xf32>
    %reduce_sum3A_79 = arith.constant dense<0.000000e+00> : vector<1xf32>
    %reduce_sum3A_80 = vector.multi_reduction <add>, %reduce_sum3A_78, %reduce_sum3A_79 [1, 2] : vector<1x2048x256xf32> to vector<1xf32>
    %reduce_sum3A_81 = vector.shape_cast %reduce_sum3A_80 : vector<1xf32> to vector<1x1x1xf32>
    %reduce_sum3A_82 = vector.extract %reduce_sum3A_81[0, 0, 0] : f32 from vector<1x1x1xf32>
    %div3A_83 = arith.constant 5.242880e+05 : f32
    %div3A_84 = arith.divf %reduce_sum3A_82, %div3A_83 : f32
    %mul3A_85 = arith.constant 5.000000e-01 : f32
    %mul3A_86 = arith.mulf %mul3A_85, %div3A_84 : f32
    %sub3A_87 = arith.subf %get3A_43, %get3A_46 : vector<2048x256xf32>
    %integer_pow3A_88 = arith.mulf %sub3A_87, %sub3A_87 : vector<2048x256xf32>
    %reduce_sum3A_89 = vector.shape_cast %integer_pow3A_88 : vector<2048x256xf32> to vector<1x2048x256xf32>
    %reduce_sum3A_90 = arith.constant dense<0.000000e+00> : vector<1xf32>
    %reduce_sum3A_91 = vector.multi_reduction <add>, %reduce_sum3A_89, %reduce_sum3A_90 [1, 2] : vector<1x2048x256xf32> to vector<1xf32>
    %reduce_sum3A_92 = vector.shape_cast %reduce_sum3A_91 : vector<1xf32> to vector<1x1x1xf32>
    %reduce_sum3A_93 = vector.extract %reduce_sum3A_92[0, 0, 0] : f32 from vector<1x1x1xf32>
    %div3A_94 = arith.constant 5.242880e+05 : f32
    %div3A_95 = arith.divf %reduce_sum3A_93, %div3A_94 : f32
    %mul3A_96 = arith.constant 2.500000e-01 : f32
    %mul3A_97 = arith.mulf %mul3A_96, %div3A_95 : f32
    %add3A_98 = arith.addf %mul3A_86, %mul3A_97 : f32
    %reshape3A_99 = vector.broadcast %add3A_98 : f32 to vector<1x1xf32>
    %swap3A_100 = arith.constant 0 : index
    %swap3A_101 = arith.constant 0 : index
    %swap3A_102 = vector.load %arg7[%swap3A_100, %swap3A_101] : memref<1x1xf32, #tpu.memory_space<vmem>>, vector<1x1xf32>
    tpu.vector_store %arg7[%swap3A_100, %swap3A_101], %reshape3A_99 {strides = array<i32>} : memref<1x1xf32, #tpu.memory_space<vmem>>, vector<1x1xf32>,
    %get3A_103 = arith.constant 0 : index
    %get3A_104 = arith.constant 0 : index
    %get3A_105 = arith.constant 0 : index
    %get3A_106 = vector.load %arg2[%get3A_103, %get3A_104, %get3A_105] : memref<2x1x8192xf32, #tpu.memory_space<vmem>>, vector<1x1x8192xf32>
    %get3A_107 = vector.shape_cast %get3A_106 : vector<1x1x8192xf32> to vector<1x8192xf32>
    %div3A_108 = arith.constant 2.048000e+03 : f32
    %div3A_109 = vector.broadcast %div3A_108 : f32 to vector<1x8192xf32>
    %div3A_110 = arith.divf %get3A_107, %div3A_109 : vector<1x8192xf32>
    %get3A_111 = arith.constant 1 : index
    %get3A_112 = arith.constant 0 : index
    %get3A_113 = arith.constant 0 : index
    %get3A_114 = vector.load %arg2[%get3A_111, %get3A_112, %get3A_113] : memref<2x1x8192xf32, #tpu.memory_space<vmem>>, vector<1x1x8192xf32>
    %get3A_115 = vector.shape_cast %get3A_114 : vector<1x1x8192xf32> to vector<1x8192xf32>
    %div3A_116 = arith.constant 2.048000e+03 : f32
    %div3A_117 = vector.broadcast %div3A_116 : f32 to vector<1x8192xf32>
    %div3A_118 = arith.divf %get3A_115, %div3A_117 : vector<1x8192xf32>
    %add3A_119 = arith.constant 1.000000e-10 : f32
    %add3A_120 = vector.broadcast %add3A_119 : f32 to vector<1x8192xf32>
    %add3A_121 = arith.addf %div3A_110, %add3A_120 : vector<1x8192xf32>
    %log3A_122 = math.log %add3A_121 : vector<1x8192xf32>
    %mul3A_123 = arith.mulf %div3A_110, %log3A_122 : vector<1x8192xf32>
    %reduce_sum3A_124 = vector.shape_cast %mul3A_123 : vector<1x8192xf32> to vector<1x1x8192xf32>
    %reduce_sum3A_125 = arith.constant dense<0.000000e+00> : vector<1xf32>
    %reduce_sum3A_126 = vector.multi_reduction <add>, %reduce_sum3A_124, %reduce_sum3A_125 [1, 2] : vector<1x1x8192xf32> to vector<1xf32>
    %reduce_sum3A_127 = vector.shape_cast %reduce_sum3A_126 : vector<1xf32> to vector<1x1x1xf32>
    %reduce_sum3A_128 = vector.extract %reduce_sum3A_127[0, 0, 0] : f32 from vector<1x1x1xf32>
    %neg3A = arith.constant 0.000000e+00 : f32
    %neg3A_129 = arith.subf %neg3A, %reduce_sum3A_128 : f32
    %exp3A_130 = math.exp %neg3A_129 : f32
    %reshape3A_131 = vector.broadcast %exp3A_130 : f32 to vector<1x1xf32>
    %swap3A_132 = arith.constant 0 : index
    %swap3A_133 = arith.constant 0 : index
    %swap3A_134 = vector.load %arg8[%swap3A_132, %swap3A_133] : memref<1x1xf32, #tpu.memory_space<vmem>>, vector<1x1xf32>
    tpu.vector_store %arg8[%swap3A_132, %swap3A_133], %reshape3A_131 {strides = array<i32>} : memref<1x1xf32, #tpu.memory_space<vmem>>, vector<1x1xf32>,
    %add3A_135 = arith.constant 1.000000e-10 : f32
    %add3A_136 = vector.broadcast %add3A_135 : f32 to vector<1x8192xf32>
    %add3A_137 = arith.addf %div3A_118, %add3A_136 : vector<1x8192xf32>
    %log3A_138 = math.log %add3A_137 : vector<1x8192xf32>
    %mul3A_139 = arith.mulf %div3A_118, %log3A_138 : vector<1x8192xf32>
    %reduce_sum3A_140 = vector.shape_cast %mul3A_139 : vector<1x8192xf32> to vector<1x1x8192xf32>
    %reduce_sum3A_141 = arith.constant dense<0.000000e+00> : vector<1xf32>
    %reduce_sum3A_142 = vector.multi_reduction <add>, %reduce_sum3A_140, %reduce_sum3A_141 [1, 2] : vector<1x1x8192xf32> to vector<1xf32>
    %reduce_sum3A_143 = vector.shape_cast %reduce_sum3A_142 : vector<1xf32> to vector<1x1x1xf32>
    %reduce_sum3A_144 = vector.extract %reduce_sum3A_143[0, 0, 0] : f32 from vector<1x1x1xf32>
    %neg3A_145 = arith.constant 0.000000e+00 : f32
    %neg3A_146 = arith.subf %neg3A_145, %reduce_sum3A_144 : f32
    %exp3A_147 = math.exp %neg3A_146 : f32
    %reshape3A_148 = vector.broadcast %exp3A_147 : f32 to vector<1x1xf32>
    %swap3A_149 = arith.constant 0 : index
    %swap3A_150 = arith.constant 0 : index
    %swap3A_151 = vector.load %arg9[%swap3A_149, %swap3A_150] : memref<1x1xf32, #tpu.memory_space<vmem>>, vector<1x1xf32>
    tpu.vector_store %arg9[%swap3A_149, %swap3A_150], %reshape3A_148 {strides = array<i32>} : memref<1x1xf32, #tpu.memory_space<vmem>>, vector<1x1xf32>,
    %get3A_152 = arith.constant 0 : index
    %get3A_153 = arith.constant 0 : index
    %get3A_154 = vector.load %arg1[%get3A_152, %get3A_153] : memref<128x32xi32, #tpu.memory_space<vmem>>, vector<128x32xi32>
    %broadcast_in_dim3A_155 = arith.constant 0 : i32
    %broadcast_in_dim3A_156 = vector.broadcast %broadcast_in_dim3A_155 : i32 to vector<128x32xi32>
    %slice3A = vector.extract_strided_slice %get3A_154 {offsets = [0, 0], sizes = [128, 1], strides = [1, 1]} : vector<128x32xi32> to vector<128x1xi32>
    %eq3A_157 = vector.broadcast %slice3A : vector<128x1xi32> to vector<128x32xi32>
    %eq3A_158 = arith.cmpi eq, %get3A_154, %eq3A_157 : vector<128x32xi32>
    %convert_element_type3A = arith.extui %eq3A_158 : vector<128x32xi1> to vector<128x32xi32>
    %add3A_159 = arith.addi %broadcast_in_dim3A_156, %convert_element_type3A : vector<128x32xi32>
    %slice3A_160 = vector.extract_strided_slice %get3A_154 {offsets = [0, 1], sizes = [128, 1], strides = [1, 1]} : vector<128x32xi32> to vector<128x1xi32>
    %eq3A_161 = vector.broadcast %slice3A_160 : vector<128x1xi32> to vector<128x32xi32>
    %eq3A_162 = arith.cmpi eq, %get3A_154, %eq3A_161 : vector<128x32xi32>
    %convert_element_type3A_163 = arith.extui %eq3A_162 : vector<128x32xi1> to vector<128x32xi32>
    %add3A_164 = arith.addi %add3A_159, %convert_element_type3A_163 : vector<128x32xi32>
    %slice3A_165 = vector.extract_strided_slice %get3A_154 {offsets = [0, 2], sizes = [128, 1], strides = [1, 1]} : vector<128x32xi32> to vector<128x1xi32>
    %eq3A_166 = vector.broadcast %slice3A_165 : vector<128x1xi32> to vector<128x32xi32>
    %eq3A_167 = arith.cmpi eq, %get3A_154, %eq3A_166 : vector<128x32xi32>
    %convert_element_type3A_168 = arith.extui %eq3A_167 : vector<128x32xi1> to vector<128x32xi32>
    %add3A_169 = arith.addi %add3A_164, %convert_element_type3A_168 : vector<128x32xi32>
    %slice3A_170 = vector.extract_strided_slice %get3A_154 {offsets = [0, 3], sizes = [128, 1], strides = [1, 1]} : vector<128x32xi32> to vector<128x1xi32>
    %eq3A_171 = vector.broadcast %slice3A_170 : vector<128x1xi32> to vector<128x32xi32>
    %eq3A_172 = arith.cmpi eq, %get3A_154, %eq3A_171 : vector<128x32xi32>
    %convert_element_type3A_173 = arith.extui %eq3A_172 : vector<128x32xi1> to vector<128x32xi32>
    %add3A_174 = arith.addi %add3A_169, %convert_element_type3A_173 : vector<128x32xi32>
    %slice3A_175 = vector.extract_strided_slice %get3A_154 {offsets = [0, 4], sizes = [128, 1], strides = [1, 1]} : vector<128x32xi32> to vector<128x1xi32>
    %eq3A_176 = vector.broadcast %slice3A_175 : vector<128x1xi32> to vector<128x32xi32>
    %eq3A_177 = arith.cmpi eq, %get3A_154, %eq3A_176 : vector<128x32xi32>
    %convert_element_type3A_178 = arith.extui %eq3A_177 : vector<128x32xi1> to vector<128x32xi32>
    %add3A_179 = arith.addi %add3A_174, %convert_element_type3A_178 : vector<128x32xi32>
    %slice3A_180 = vector.extract_strided_slice %get3A_154 {offsets = [0, 5], sizes = [128, 1], strides = [1, 1]} : vector<128x32xi32> to vector<128x1xi32>
    %eq3A_181 = vector.broadcast %slice3A_180 : vector<128x1xi32> to vector<128x32xi32>
    %eq3A_182 = arith.cmpi eq, %get3A_154, %eq3A_181 : vector<128x32xi32>
    %convert_element_type3A_183 = arith.extui %eq3A_182 : vector<128x32xi1> to vector<128x32xi32>
    %add3A_184 = arith.addi %add3A_179, %convert_element_type3A_183 : vector<128x32xi32>
    %slice3A_185 = vector.extract_strided_slice %get3A_154 {offsets = [0, 6], sizes = [128, 1], strides = [1, 1]} : vector<128x32xi32> to vector<128x1xi32>
    %eq3A_186 = vector.broadcast %slice3A_185 : vector<128x1xi32> to vector<128x32xi32>
    %eq3A_187 = arith.cmpi eq, %get3A_154, %eq3A_186 : vector<128x32xi32>
    %convert_element_type3A_188 = arith.extui %eq3A_187 : vector<128x32xi1> to vector<128x32xi32>
    %add3A_189 = arith.addi %add3A_184, %convert_element_type3A_188 : vector<128x32xi32>
    %slice3A_190 = vector.extract_strided_slice %get3A_154 {offsets = [0, 7], sizes = [128, 1], strides = [1, 1]} : vector<128x32xi32> to vector<128x1xi32>
    %eq3A_191 = vector.broadcast %slice3A_190 : vector<128x1xi32> to vector<128x32xi32>
    %eq3A_192 = arith.cmpi eq, %get3A_154, %eq3A_191 : vector<128x32xi32>
    %convert_element_type3A_193 = arith.extui %eq3A_192 : vector<128x32xi1> to vector<128x32xi32>
    %add3A_194 = arith.addi %add3A_189, %convert_element_type3A_193 : vector<128x32xi32>
    %slice3A_195 = vector.extract_strided_slice %get3A_154 {offsets = [0, 8], sizes = [128, 1], strides = [1, 1]} : vector<128x32xi32> to vector<128x1xi32>
    %eq3A_196 = vector.broadcast %slice3A_195 : vector<128x1xi32> to vector<128x32xi32>
    %eq3A_197 = arith.cmpi eq, %get3A_154, %eq3A_196 : vector<128x32xi32>
    %convert_element_type3A_198 = arith.extui %eq3A_197 : vector<128x32xi1> to vector<128x32xi32>
    %add3A_199 = arith.addi %add3A_194, %convert_element_type3A_198 : vector<128x32xi32>
    %slice3A_200 = vector.extract_strided_slice %get3A_154 {offsets = [0, 9], sizes = [128, 1], strides = [1, 1]} : vector<128x32xi32> to vector<128x1xi32>
    %eq3A_201 = vector.broadcast %slice3A_200 : vector<128x1xi32> to vector<128x32xi32>
    %eq3A_202 = arith.cmpi eq, %get3A_154, %eq3A_201 : vector<128x32xi32>
    %convert_element_type3A_203 = arith.extui %eq3A_202 : vector<128x32xi1> to vector<128x32xi32>
    %add3A_204 = arith.addi %add3A_199, %convert_element_type3A_203 : vector<128x32xi32>
    %slice3A_205 = vector.extract_strided_slice %get3A_154 {offsets = [0, 10], sizes = [128, 1], strides = [1, 1]} : vector<128x32xi32> to vector<128x1xi32>
    %eq3A_206 = vector.broadcast %slice3A_205 : vector<128x1xi32> to vector<128x32xi32>
    %eq3A_207 = arith.cmpi eq, %get3A_154, %eq3A_206 : vector<128x32xi32>
    %convert_element_type3A_208 = arith.extui %eq3A_207 : vector<128x32xi1> to vector<128x32xi32>
    %add3A_209 = arith.addi %add3A_204, %convert_element_type3A_208 : vector<128x32xi32>
    %slice3A_210 = vector.extract_strided_slice %get3A_154 {offsets = [0, 11], sizes = [128, 1], strides = [1, 1]} : vector<128x32xi32> to vector<128x1xi32>
    %eq3A_211 = vector.broadcast %slice3A_210 : vector<128x1xi32> to vector<128x32xi32>
    %eq3A_212 = arith.cmpi eq, %get3A_154, %eq3A_211 : vector<128x32xi32>
    %convert_element_type3A_213 = arith.extui %eq3A_212 : vector<128x32xi1> to vector<128x32xi32>
    %add3A_214 = arith.addi %add3A_209, %convert_element_type3A_213 : vector<128x32xi32>
    %slice3A_215 = vector.extract_strided_slice %get3A_154 {offsets = [0, 12], sizes = [128, 1], strides = [1, 1]} : vector<128x32xi32> to vector<128x1xi32>
    %eq3A_216 = vector.broadcast %slice3A_215 : vector<128x1xi32> to vector<128x32xi32>
    %eq3A_217 = arith.cmpi eq, %get3A_154, %eq3A_216 : vector<128x32xi32>
    %convert_element_type3A_218 = arith.extui %eq3A_217 : vector<128x32xi1> to vector<128x32xi32>
    %add3A_219 = arith.addi %add3A_214, %convert_element_type3A_218 : vector<128x32xi32>
    %slice3A_220 = vector.extract_strided_slice %get3A_154 {offsets = [0, 13], sizes = [128, 1], strides = [1, 1]} : vector<128x32xi32> to vector<128x1xi32>
    %eq3A_221 = vector.broadcast %slice3A_220 : vector<128x1xi32> to vector<128x32xi32>
    %eq3A_222 = arith.cmpi eq, %get3A_154, %eq3A_221 : vector<128x32xi32>
    %convert_element_type3A_223 = arith.extui %eq3A_222 : vector<128x32xi1> to vector<128x32xi32>
    %add3A_224 = arith.addi %add3A_219, %convert_element_type3A_223 : vector<128x32xi32>
    %slice3A_225 = vector.extract_strided_slice %get3A_154 {offsets = [0, 14], sizes = [128, 1], strides = [1, 1]} : vector<128x32xi32> to vector<128x1xi32>
    %eq3A_226 = vector.broadcast %slice3A_225 : vector<128x1xi32> to vector<128x32xi32>
    %eq3A_227 = arith.cmpi eq, %get3A_154, %eq3A_226 : vector<128x32xi32>
    %convert_element_type3A_228 = arith.extui %eq3A_227 : vector<128x32xi1> to vector<128x32xi32>
    %add3A_229 = arith.addi %add3A_224, %convert_element_type3A_228 : vector<128x32xi32>
    %slice3A_230 = vector.extract_strided_slice %get3A_154 {offsets = [0, 15], sizes = [128, 1], strides = [1, 1]} : vector<128x32xi32> to vector<128x1xi32>
    %eq3A_231 = vector.broadcast %slice3A_230 : vector<128x1xi32> to vector<128x32xi32>
    %eq3A_232 = arith.cmpi eq, %get3A_154, %eq3A_231 : vector<128x32xi32>
    %convert_element_type3A_233 = arith.extui %eq3A_232 : vector<128x32xi1> to vector<128x32xi32>
    %add3A_234 = arith.addi %add3A_229, %convert_element_type3A_233 : vector<128x32xi32>
    %slice3A_235 = vector.extract_strided_slice %get3A_154 {offsets = [0, 16], sizes = [128, 1], strides = [1, 1]} : vector<128x32xi32> to vector<128x1xi32>
    %eq3A_236 = vector.broadcast %slice3A_235 : vector<128x1xi32> to vector<128x32xi32>
    %eq3A_237 = arith.cmpi eq, %get3A_154, %eq3A_236 : vector<128x32xi32>
    %convert_element_type3A_238 = arith.extui %eq3A_237 : vector<128x32xi1> to vector<128x32xi32>
    %add3A_239 = arith.addi %add3A_234, %convert_element_type3A_238 : vector<128x32xi32>
    %slice3A_240 = vector.extract_strided_slice %get3A_154 {offsets = [0, 17], sizes = [128, 1], strides = [1, 1]} : vector<128x32xi32> to vector<128x1xi32>
    %eq3A_241 = vector.broadcast %slice3A_240 : vector<128x1xi32> to vector<128x32xi32>
    %eq3A_242 = arith.cmpi eq, %get3A_154, %eq3A_241 : vector<128x32xi32>
    %convert_element_type3A_243 = arith.extui %eq3A_242 : vector<128x32xi1> to vector<128x32xi32>
    %add3A_244 = arith.addi %add3A_239, %convert_element_type3A_243 : vector<128x32xi32>
    %slice3A_245 = vector.extract_strided_slice %get3A_154 {offsets = [0, 18], sizes = [128, 1], strides = [1, 1]} : vector<128x32xi32> to vector<128x1xi32>
    %eq3A_246 = vector.broadcast %slice3A_245 : vector<128x1xi32> to vector<128x32xi32>
    %eq3A_247 = arith.cmpi eq, %get3A_154, %eq3A_246 : vector<128x32xi32>
    %convert_element_type3A_248 = arith.extui %eq3A_247 : vector<128x32xi1> to vector<128x32xi32>
    %add3A_249 = arith.addi %add3A_244, %convert_element_type3A_248 : vector<128x32xi32>
    %slice3A_250 = vector.extract_strided_slice %get3A_154 {offsets = [0, 19], sizes = [128, 1], strides = [1, 1]} : vector<128x32xi32> to vector<128x1xi32>
    %eq3A_251 = vector.broadcast %slice3A_250 : vector<128x1xi32> to vector<128x32xi32>
    %eq3A_252 = arith.cmpi eq, %get3A_154, %eq3A_251 : vector<128x32xi32>
    %convert_element_type3A_253 = arith.extui %eq3A_252 : vector<128x32xi1> to vector<128x32xi32>
    %add3A_254 = arith.addi %add3A_249, %convert_element_type3A_253 : vector<128x32xi32>
    %slice3A_255 = vector.extract_strided_slice %get3A_154 {offsets = [0, 20], sizes = [128, 1], strides = [1, 1]} : vector<128x32xi32> to vector<128x1xi32>
    %eq3A_256 = vector.broadcast %slice3A_255 : vector<128x1xi32> to vector<128x32xi32>
    %eq3A_257 = arith.cmpi eq, %get3A_154, %eq3A_256 : vector<128x32xi32>
    %convert_element_type3A_258 = arith.extui %eq3A_257 : vector<128x32xi1> to vector<128x32xi32>
    %add3A_259 = arith.addi %add3A_254, %convert_element_type3A_258 : vector<128x32xi32>
    %slice3A_260 = vector.extract_strided_slice %get3A_154 {offsets = [0, 21], sizes = [128, 1], strides = [1, 1]} : vector<128x32xi32> to vector<128x1xi32>
    %eq3A_261 = vector.broadcast %slice3A_260 : vector<128x1xi32> to vector<128x32xi32>
    %eq3A_262 = arith.cmpi eq, %get3A_154, %eq3A_261 : vector<128x32xi32>
    %convert_element_type3A_263 = arith.extui %eq3A_262 : vector<128x32xi1> to vector<128x32xi32>
    %add3A_264 = arith.addi %add3A_259, %convert_element_type3A_263 : vector<128x32xi32>
    %slice3A_265 = vector.extract_strided_slice %get3A_154 {offsets = [0, 22], sizes = [128, 1], strides = [1, 1]} : vector<128x32xi32> to vector<128x1xi32>
    %eq3A_266 = vector.broadcast %slice3A_265 : vector<128x1xi32> to vector<128x32xi32>
    %eq3A_267 = arith.cmpi eq, %get3A_154, %eq3A_266 : vector<128x32xi32>
    %convert_element_type3A_268 = arith.extui %eq3A_267 : vector<128x32xi1> to vector<128x32xi32>
    %add3A_269 = arith.addi %add3A_264, %convert_element_type3A_268 : vector<128x32xi32>
    %slice3A_270 = vector.extract_strided_slice %get3A_154 {offsets = [0, 23], sizes = [128, 1], strides = [1, 1]} : vector<128x32xi32> to vector<128x1xi32>
    %eq3A_271 = vector.broadcast %slice3A_270 : vector<128x1xi32> to vector<128x32xi32>
    %eq3A_272 = arith.cmpi eq, %get3A_154, %eq3A_271 : vector<128x32xi32>
    %convert_element_type3A_273 = arith.extui %eq3A_272 : vector<128x32xi1> to vector<128x32xi32>
    %add3A_274 = arith.addi %add3A_269, %convert_element_type3A_273 : vector<128x32xi32>
    %slice3A_275 = vector.extract_strided_slice %get3A_154 {offsets = [0, 24], sizes = [128, 1], strides = [1, 1]} : vector<128x32xi32> to vector<128x1xi32>
    %eq3A_276 = vector.broadcast %slice3A_275 : vector<128x1xi32> to vector<128x32xi32>
    %eq3A_277 = arith.cmpi eq, %get3A_154, %eq3A_276 : vector<128x32xi32>
    %convert_element_type3A_278 = arith.extui %eq3A_277 : vector<128x32xi1> to vector<128x32xi32>
    %add3A_279 = arith.addi %add3A_274, %convert_element_type3A_278 : vector<128x32xi32>
    %slice3A_280 = vector.extract_strided_slice %get3A_154 {offsets = [0, 25], sizes = [128, 1], strides = [1, 1]} : vector<128x32xi32> to vector<128x1xi32>
    %eq3A_281 = vector.broadcast %slice3A_280 : vector<128x1xi32> to vector<128x32xi32>
    %eq3A_282 = arith.cmpi eq, %get3A_154, %eq3A_281 : vector<128x32xi32>
    %convert_element_type3A_283 = arith.extui %eq3A_282 : vector<128x32xi1> to vector<128x32xi32>
    %add3A_284 = arith.addi %add3A_279, %convert_element_type3A_283 : vector<128x32xi32>
    %slice3A_285 = vector.extract_strided_slice %get3A_154 {offsets = [0, 26], sizes = [128, 1], strides = [1, 1]} : vector<128x32xi32> to vector<128x1xi32>
    %eq3A_286 = vector.broadcast %slice3A_285 : vector<128x1xi32> to vector<128x32xi32>
    %eq3A_287 = arith.cmpi eq, %get3A_154, %eq3A_286 : vector<128x32xi32>
    %convert_element_type3A_288 = arith.extui %eq3A_287 : vector<128x32xi1> to vector<128x32xi32>
    %add3A_289 = arith.addi %add3A_284, %convert_element_type3A_288 : vector<128x32xi32>
    %slice3A_290 = vector.extract_strided_slice %get3A_154 {offsets = [0, 27], sizes = [128, 1], strides = [1, 1]} : vector<128x32xi32> to vector<128x1xi32>
    %eq3A_291 = vector.broadcast %slice3A_290 : vector<128x1xi32> to vector<128x32xi32>
    %eq3A_292 = arith.cmpi eq, %get3A_154, %eq3A_291 : vector<128x32xi32>
    %convert_element_type3A_293 = arith.extui %eq3A_292 : vector<128x32xi1> to vector<128x32xi32>
    %add3A_294 = arith.addi %add3A_289, %convert_element_type3A_293 : vector<128x32xi32>
    %slice3A_295 = vector.extract_strided_slice %get3A_154 {offsets = [0, 28], sizes = [128, 1], strides = [1, 1]} : vector<128x32xi32> to vector<128x1xi32>
    %eq3A_296 = vector.broadcast %slice3A_295 : vector<128x1xi32> to vector<128x32xi32>
    %eq3A_297 = arith.cmpi eq, %get3A_154, %eq3A_296 : vector<128x32xi32>
    %convert_element_type3A_298 = arith.extui %eq3A_297 : vector<128x32xi1> to vector<128x32xi32>
    %add3A_299 = arith.addi %add3A_294, %convert_element_type3A_298 : vector<128x32xi32>
    %slice3A_300 = vector.extract_strided_slice %get3A_154 {offsets = [0, 29], sizes = [128, 1], strides = [1, 1]} : vector<128x32xi32> to vector<128x1xi32>
    %eq3A_301 = vector.broadcast %slice3A_300 : vector<128x1xi32> to vector<128x32xi32>
    %eq3A_302 = arith.cmpi eq, %get3A_154, %eq3A_301 : vector<128x32xi32>
    %convert_element_type3A_303 = arith.extui %eq3A_302 : vector<128x32xi1> to vector<128x32xi32>
    %add3A_304 = arith.addi %add3A_299, %convert_element_type3A_303 : vector<128x32xi32>
    %slice3A_305 = vector.extract_strided_slice %get3A_154 {offsets = [0, 30], sizes = [128, 1], strides = [1, 1]} : vector<128x32xi32> to vector<128x1xi32>
    %eq3A_306 = vector.broadcast %slice3A_305 : vector<128x1xi32> to vector<128x32xi32>
    %eq3A_307 = arith.cmpi eq, %get3A_154, %eq3A_306 : vector<128x32xi32>
    %convert_element_type3A_308 = arith.extui %eq3A_307 : vector<128x32xi1> to vector<128x32xi32>
    %add3A_309 = arith.addi %add3A_304, %convert_element_type3A_308 : vector<128x32xi32>
    %slice3A_310 = vector.extract_strided_slice %get3A_154 {offsets = [0, 31], sizes = [128, 1], strides = [1, 1]} : vector<128x32xi32> to vector<128x1xi32>
    %eq3A_311 = vector.broadcast %slice3A_310 : vector<128x1xi32> to vector<128x32xi32>
    %eq3A_312 = arith.cmpi eq, %get3A_154, %eq3A_311 : vector<128x32xi32>
    %convert_element_type3A_313 = arith.extui %eq3A_312 : vector<128x32xi1> to vector<128x32xi32>
    %add3A_314 = arith.addi %add3A_309, %convert_element_type3A_313 : vector<128x32xi32>
    %reduce_max3A = arith.constant dense<-2147483648> : vector<128xi32>
    %reduce_max3A_315 = vector.multi_reduction <maxsi>, %add3A_314, %reduce_max3A [1] : vector<128x32xi32> to vector<128xi32>
    %broadcast_in_dim3A_316 = vector.shape_cast %reduce_max3A_315 : vector<128xi32> to vector<128x1xi32>
    %eq3A_317 = vector.broadcast %broadcast_in_dim3A_316 : vector<128x1xi32> to vector<128x32xi32>
    %eq3A_318 = arith.cmpi eq, %add3A_314, %eq3A_317 : vector<128x32xi32>
    %jit3A_319 = arith.constant 1073741824 : i32
    %broadcast_in_dim3A_320 = vector.broadcast %jit3A_319 : i32 to vector<128x32xi32>
    %select_n3A_321 = arith.select %eq3A_318, %get3A_154, %broadcast_in_dim3A_320 : vector<128x32xi1>, vector<128x32xi32>
    %reduce_min3A_322 = arith.constant dense<2147483647> : vector<128xi32>
    %reduce_min3A_323 = vector.multi_reduction <minsi>, %select_n3A_321, %reduce_min3A_322 [1] : vector<128x32xi32> to vector<128xi32>
    %broadcast_in_dim3A_324 = vector.shape_cast %reduce_min3A_323 : vector<128xi32> to vector<128x1xi32>
    %slice3A_325 = vector.extract_strided_slice %broadcast_in_dim3A_324 {offsets = [0, 0], sizes = [64, 1], strides = [1, 1]} : vector<128x1xi32> to vector<64x1xi32>
    %slice3A_326 = vector.extract_strided_slice %broadcast_in_dim3A_324 {offsets = [64, 0], sizes = [64, 1], strides = [1, 1]} : vector<128x1xi32> to vector<64x1xi32>
    %eq3A_327 = arith.cmpi eq, %slice3A_325, %slice3A_326 : vector<64x1xi32>
    %convert_element_type3A_328 = arith.extui %eq3A_327 : vector<64x1xi1> to vector<64x1xi32>
    %reduce_sum3A_329 = vector.shape_cast %convert_element_type3A_328 : vector<64x1xi32> to vector<1x64x1xi32>
    %reduce_sum3A_330 = arith.constant dense<0> : vector<1xi32>
    %reduce_sum3A_331 = vector.multi_reduction <add>, %reduce_sum3A_329, %reduce_sum3A_330 [1, 2] : vector<1x64x1xi32> to vector<1xi32>
    %reduce_sum3A_332 = vector.shape_cast %reduce_sum3A_331 : vector<1xi32> to vector<1x1x1xi32>
    %reduce_sum3A_333 = vector.extract %reduce_sum3A_332[0, 0, 0] : i32 from vector<1x1x1xi32>
    %reshape3A_334 = vector.broadcast %reduce_sum3A_333 : i32 to vector<1x1xi32>
    %swap3A_335 = arith.constant 0 : index
    %swap3A_336 = arith.constant 0 : index
    %swap3A_337 = vector.load %arg10[%swap3A_335, %swap3A_336] : memref<1x1xi32, #tpu.memory_space<vmem>>, vector<1x1xi32>
    tpu.vector_store %arg10[%swap3A_335, %swap3A_336], %reshape3A_334 {strides = array<i32>} : memref<1x1xi32, #tpu.memory_space<vmem>>, vector<1x1xi32>,
    return
  }
}

</mosaic_0001>

<sc_bundles>
// kernel: kernel.5.cloned.1.call-start
scs
__scs_entry_jumppad:
0x0: {  	(pc) =	sbr.rel $0x88, $3  }
0x1: {  	(tag) =	ssettag $0x0;
	lr =	simm.s32 $0x1  }
0x2: {  	[smem:$0x3F6A] =	sst lr;
	_ =	strace $0xD0000000  }
0x3: {  	_ = 	snop  }
0x4: {  	_ = 	snop  }
0x5: {  	_ = 	snop  }
0x6: {  	_ = 	snop  }
0x7: {  	_ = 	snop  }
__scs_overlays_trampoline_lowered:
0x8: {  	[smem:$0x3F79] =	sst s0  }
0x9: {  	[smem:$0x3F7A] =	sst s1  }
0xa: {  	[smem:$0x3F7B] =	sst s2  }
0xb: {  	[smem:$0x3F7C] =	sst s3  }
0xc: {  	[smem:$0x3F7D] =	sst s4  }
0xd: {  	[smem:$0x3F7E] =	sst s5  }
0xe: {  	[smem:$0x3F7F] =	sst s6  }
0xf: {  	[smem:$0x3F80] =	sst s7  }
0x10: {  	[smem:$0x3F81] =	sst s8  }
0x11: {  	[smem:$0x3F82] =	sst s9;
	s0 =	simm.s32 @!p0 $0x0  }
0x12: {  	s1 =	sld [smem:$0x3F68];
	s0 =	simm.s32 @p0 $0x1  }
0x13: {  	[smem:$0x3F83] =	sst s0;
	s0 =	simm.s32 @!p1 $0x0  }
0x14: {  	s2 =	sld [smem:$0x3F67];
	s0 =	simm.s32 @p1 $0x1  }
0x15: {  	[smem:$0x3F84] =	sst s0;
	s0 =	simm.s32 @!p2 $0x0  }
0x16: {  	s3 =	sld [smem:$0x3FDB];
	s0 =	simm.s32 @p2 $0x1  }
0x17: {  	s4 =	simm.s32 $0x1BF5;
	[smem:$0x3F86] =	sst s0  }
0x18: {  	s0 =	sld [smem:$0x3F69];
	_ =	swait.ge [sflag:s4], $0x0  }
0x19: {  	s7 =	sld [smem:$0x3F6A]  }
0x1a: {  	s8 =	sadd.s32 $0xFFFFE003, lr  }
0x1b: {  	s9 =	sadd.s32 $0xFFFFFEF7, lr;
	s5 =	simm.s32 $0xFFFFFFFF;
	p2 =	slt.u32 s8, $0xFFFFF086  }
0x1c: {  	p1 =	slt.u32 s9, $0xF7A;
	s5 =	simm.s32 @!p2 $0x0  }
0x1d: {  	s5 =	simm.s32 @p1 $0x1;
	p0 =	seq.s32 s7, s2  }
0x1e: {  	s7 =	smul.u32 @!p0 $0xF7A, s2;
	p2 =	seq.s32 @!p0 s5, $0x0  }
0x1f: {  	s9 =	smul.u32 $0xF7A, s1;
	s8 =	simm.s32 @!p0 $0x1BF5;
	p2 =	por !p2, p0  }
0x20: {  	[sflag:s8] =	ssyncset.s32 @!p0 $0xFFFFF086;
	s6 =	sadd.s32 @!p0 s3, s7;
	s7 =	simm.s32 @!p0 $0x108  }
0x21: {  	s3 =	sadd.s32 s3, s9;
	s6 =	sadd.s32 @!p0 $0x88, s6;
	s7 =	simm.s32 @p2 $0x1082  }
0x22: {  	[simem:s7], [sflag:s8] =	dma.local @!p0 [hbm:s6], $0xF7A  }
0x23: {  	s9 =	sor.u32 $0xD0000000, s2;
	s6 =	simm.s32 $0x108;
	_ =	swait.ge @!p0 [sflag:s8], $0x0  }
0x24: {  	s3 =	sadd.s32 $0x88, s3;
	s6 =	simm.s32 @!p1 $0x1082;
	[sflag:s4] =	ssyncset.s32 $0xFFFFF086  }
0x25: {  	[simem:s6], [sflag:s4] =	dma.local [hbm:s3], $0xF7A  }
0x26: {  	[smem:$0x3F6A] =	sst s1;
	(tag) =	ssettag s2;
	_ =	strace s9  }
0x27: {  	s1 =	sld [smem:$0x3F7A]  }
0x28: {  	s2 =	sld [smem:$0x3F7B]  }
0x29: {  	s4 =	sld [smem:$0x3F7D]  }
0x2a: {  	p0 =	seq.s32 s5, $0x0;
	s5 =	sld [smem:$0x3F7E]  }
0x2b: {  	s6 =	sld [smem:$0x3F7F]  }
0x2c: {  	s7 =	sld [smem:$0x3F80]  }
0x2d: {  	s3 =	simm.s32 $0x108;
	s8 =	sld [smem:$0x3F81]  }
0x2e: {  	s3 =	simm.s32 @!p0 $0x1082;
	s9 =	sld [smem:$0x3F82]  }
0x2f: {  	lr =	sadd.s32 s0, s3;
	s0 =	sld [smem:$0x3F79]  }
0x30: {  	s3 =	sld [smem:$0x3F7C]  }
0x31: {  	[smem:$0x3F85] =	sst s10  }
0x32: {  	s10 =	sld [smem:$0x3F83];
	_ =	sdelay $0x3  }
0x33: {  	p0 =	seq.s32 s10, $0x1;
	s10 =	sld [smem:$0x3F85];
	_ =	sdelay $0x3  }
0x34: {  	[smem:$0x3F85] =	sst s10  }
0x35: {  	s10 =	sld [smem:$0x3F84];
	_ =	sdelay $0x3  }
0x36: {  	p1 =	seq.s32 s10, $0x1;
	s10 =	sld [smem:$0x3F85];
	_ =	sdelay $0x3  }
0x37: {  	[smem:$0x3F85] =	sst s10  }
0x38: {  	s10 =	sld [smem:$0x3F86]  }
0x39: {  	_ = 	snop;
	(pc) =	sbr.ind lr, $3  }
0x3a: {  	_ = 	snop  }
0x3b: {  	_ = 	snop  }
0x3c: {  	p2 =	seq.s32 s10, $0x1;
	s10 =	sld [smem:$0x3F85]  }
0x3d: {  	_ =	shalt  }
0x3e: {  	_ =	shalt  }
0x3f: {  	_ =	shalt  }
0x40: {  	_ =	shalt  }
0x41: {  	_ =	shalt  }
0x42: {  	_ =	shalt  }
0x43: {  	_ =	shalt  }
0x44: {  	_ =	shalt  }
0x45: {  	_ =	shalt  }
0x46: {  	_ =	shalt  }
0x47: {  	_ =	shalt  }
0x48: {  	_ =	shalt  }
0x49: {  	_ =	shalt  }
0x4a: {  	_ =	shalt  }
0x4b: {  	_ =	shalt  }
0x4c: {  	_ =	shalt  }
0x4d: {  	_ =	shalt  }
0x4e: {  	_ =	shalt  }
0x4f: {  	_ =	shalt  }
0x50: {  	_ =	shalt  }
0x51: {  	_ =	shalt  }
0x52: {  	_ =	shalt  }
0x53: {  	_ =	shalt  }
0x54: {  	_ =	shalt  }
0x55: {  	_ =	shalt  }
0x56: {  	_ =	shalt  }
0x57: {  	_ =	shalt  }
0x58: {  	_ =	shalt  }
0x59: {  	_ =	shalt  }
0x5a: {  	_ =	shalt  }
0x5b: {  	_ =	shalt  }
0x5c: {  	_ =	shalt  }
0x5d: {  	_ =	shalt  }
0x5e: {  	_ =	shalt  }
0x5f: {  	_ =	shalt  }
0x60: {  	_ =	shalt  }
0x61: {  	_ =	shalt  }
0x62: {  	_ =	shalt  }
0x63: {  	_ =	shalt  }
0x64: {  	_ =	shalt  }
0x65: {  	_ =	shalt  }
0x66: {  	_ =	shalt  }
0x67: {  	_ =	shalt  }
0x68: {  	_ =	shalt  }
0x69: {  	_ =	shalt  }
0x6a: {  	_ =	shalt  }
0x6b: {  	_ =	shalt  }
0x6c: {  	_ =	shalt  }
0x6d: {  	_ =	shalt  }
0x6e: {  	_ =	shalt  }
0x6f: {  	_ =	shalt  }
0x70: {  	_ =	shalt  }
0x71: {  	_ =	shalt  }
0x72: {  	_ =	shalt  }
0x73: {  	_ =	shalt  }
0x74: {  	_ =	shalt  }
0x75: {  	_ =	shalt  }
0x76: {  	_ =	shalt  }
0x77: {  	_ =	shalt  }
0x78: {  	_ =	shalt  }
0x79: {  	_ =	shalt  }
0x7a: {  	_ =	shalt  }
0x7b: {  	_ =	shalt  }
0x7c: {  	_ =	shalt  }
0x7d: {  	_ =	shalt  }
0x7e: {  	_ =	shalt  }
0x7f: {  	_ =	shalt  }
0x80: {  	_ =	shalt  }
0x81: {  	_ =	shalt  }
0x82: {  	_ =	shalt  }
0x83: {  	_ =	shalt  }
0x84: {  	_ =	shalt  }
0x85: {  	_ =	shalt  }
0x86: {  	_ =	shalt  }
0x87: {  	_ =	shalt  }
.Lfunc_end0:
.L_simem_size_0:
called_computation_lowered:
.L_overlay_start_0:
0x88: {  	s2 =	sld [smem:$0x3FD9]  }
0x89: {  	s3 =	sld [smem:$0x3FFE];
	_ =	sdelay $0x1  }
0x8a: {  	s1 =	srdreg.scid  }
0x8b: {  	s0 =	sand.u32 $0x1, s1  }
0x8c: {  	s14 =	sshll.u32 s0, $0xA;
	s2 =	sadd.s32 s3, s2  }
0x8d: {  	s2 =	sadd.s32 s2, s14  }
0x8e: {  	[smem:$0x3F91] =	sst s2  }
0x8f: {  	_ = 	snop  }
0x90: {  	s2 =	sld [smem:$0x3FD0];
	_ =	sdelay $0x2  }
0x91: {  	s4 =	simm.s32 $0xA;
	s5 =	simm.s32 $0x10;
	s15 =	sld [smem:$0x3F93]  }
0x92: {  	[smem:s5], [sflag:s4] =	dma.local [hbm:s2], $0x1  }
0x93: {  	_ =	swait.eq [sflag:s4], $0x1  }
0x94: {  	[sflag:s4] =	ssyncset.done $0x0  }
0x95: {  	[sflag:s4] =	ssyncadd.s32 $0xFFFFFFFF  }
0x96: {  	s16 =	sld [smem:$0x12];
	(tm) =	ssettm $0x1  }
0x97: {  	s17 =	sld [smem:$0x3FFB];
	_ =	sdelay $0x3  }
0x98: {  	_ =	strace s17  }
0x99: {  	s4 =	sld [smem:$0x3FFC];
	_ =	sdelay $0x3  }
0x9a: {  	_ =	strace s4  }
0x9b: {  	s4 =	sld [smem:$0x3FFD];
	_ =	sdelay $0x3  }
0x9c: {  	_ =	strace s4  }
0x9d: {  	_ =	strace $0x8FFFFFFF  }
0x9e: {  	s18 =	sld [smem:$0x3FDB];
	_ =	sdelay $0x1  }
0x9f: {  	s19 =	simm.s32 $_scs_section_size  }
0xa0: {  	s6 =	simm.s32 $_size__tile_overlayer_lowered;
	s7 =	simm.s32 $_tile_overlayer_lowered  }
0xa1: {  	s22 =	simm.s32 $0x1BFF;
	s21 =	sshll.u32 s7, $0x1;
	s4 =	sadd.s32 s19, s18  }
0xa2: {  	s8 =	simm.s32 $0x0;
	s20 =	sshll.u32 s6, $0x1;
	s6 =	sadd.s32 s21, s4  }
0xa3: {  	[timem:s8], [sflag:s22] =	dma.local [hbm:s6], s20  }
0xa4: {  	_ =	swait.ge [sflag:s22], s20  }
0xa5: {  	s5 =	ssub.s32 $0x0, s20;
	[sflag:s22] =	ssyncset.done $0x0  }
0xa6: {  	[sflag:s22] =	ssyncadd.s32 s5;
	_ =	sdelay $0x1  }
0xa7: {  	s23 =	simm.s32 $0x1B8B  }
0xa8: {  	_ =	swait.ge [sflag:s23], $0x1  }
0xa9: {  	[sflag:s23] =	ssyncset.done $0x0  }
0xaa: {  	s25 =	simm.s32 $0x1B8E;
	s24 =	sld [smem:$0x3FFE];
	[sflag:s23] =	ssyncadd.s32 $0xFFFFFFFF  }
0xab: {  	s26 =	simm.s32 $execute0_lowered;
	[smem:$0x3FD2] =	sst s25  }
0xac: {  	s6 =	sshll.u32 s26, $0x1;
	_ =	strace $0x80000046;
	[dreg:$0x1] =	wrdreg $0xFFFFFFFF  }
0xad: {  	s28 =	simm.s32 $_size_execute0_lowered;
	s4 =	sadd.s32 s4, s6;
	[dreg:$0x0] =	wrdreg $0x0  }
0xae: {  	s6 =	sshll.u32 s28, $0x1;
	[dreg:$0x2] =	wrdreg s4  }
0xaf: {  	[dreg:$0x3] =	wrdreg s6  }
0xb0: {  	[dreg:$0x4] =	wrdreg $0xC0  }
0xb1: {  	_ =	task [dreg:s8], $0x5FFFF  }
0xb2: {  	[dreg:$0x1] =	wrdreg $0xFFFFFFFF  }
0xb3: {  	[dreg:$0x0] =	wrdreg $0x60  }
0xb4: {  	[dreg:$0x2] =	wrdreg s15  }
0xb5: {  	[dreg:$0x3] =	wrdreg s16  }
0xb6: {  	[dreg:$0x4] =	wrdreg s24  }
0xb7: {  	[dreg:$0x5] =	wrdreg $0x9  }
0xb8: {  	_ =	task.clear_ibuf [dreg:s8], $0x6FFFF;
	_ =	strace $0x90000046  }
0xb9: {  	s29 =	simm.s32 $0x9;
	_ =	strace $0x80000048  }
0xba: {  	_ =	swait.ge [sflag:s29], $0x1  }
0xbb: {  	[sflag:s29] =	ssyncadd.s32 $0xFFFFFFFF  }
0xbc: {  	_ =	strace $0x90000048  }
0xbd: {  	_ =	sfence  }
0xbe: {  	s30 =	sld [smem:$0x0];
	_ =	sdelay $0x2  }
0xbf: {  	s31 =	sshll.u32 s1, $0xD;
	s1 =	sshrl.u32 s1, $0x2  }
0xc0: {  	s3 =	sand.u32 $0x4000, s31;
	s1 =	sadd.s32 s1, s30  }
0xc1: {  	s0 =	sor.u32 s3, s0;
	s1 =	sshll.u32 s1, $0x11  }
0xc2: {  	s0 =	sor.u32 s1, s0  }
0xc3: {  	s0 =	sadd.s32 $0x8F2B, s0  }
0xc4: {  	[sflag:s0] =	ssyncadd.remote.s32 $0x1  }
0xc5: {  	_ =	sfence.sel $0xFFFF  }
0xc6: {  	[dreg:$0x0] =	wrdreg $0xFFFFFFFF;
	(pc) =	sbr.abs _section_cstart, $3  }
0xc7: {  	[dreg:$0x1] =	wrdreg $0xFFFFFFFF  }
0xc8: {  	_ =	task.clear_ibuf [dreg:s8], $0x2FFFF;
	_ =	strace $0x9FFFFFFF  }
0xc9: {  	(tm) =	ssettm $0x7FFFFFFF  }
tec
execute0_lowered:
.L_overlay_start_1:
0x0: {  	(tag) =	ssettag $0x1  }
0x1: {  	s1 =	rddreg [dreg:$0x0]  }
0x2: {  	s4 =	rddreg [dreg:$0x1]  }
0x3: {  	s5 =	rddreg [dreg:$0x2];
	s3 =	srdreg.scid  }
0x4: {  	s0 =	rddreg [dreg:$0x3];
	s2 =	stileid.u32;
	s10 =	simm.s32 $0x1080  }
0x5: {  	s11 =	simm.s32 $0x1880;
	s12 =	simm.s32 $0x2080;
	s13 =	simm.s32 $0x2880  }
0x6: {  	s14 =	simm.s32 $0x3080;
	s15 =	simm.s32 $0x3880;
	s16 =	simm.s32 $0x4080  }
0x7: {  	s17 =	simm.s32 $0x4880;
	s18 =	simm.s32 $0x5080;
	s19 =	simm.s32 $0x5880  }
0x8: {  	s20 =	simm.s32 $0x6080;
	s21 =	simm.s32 $0x6880;
	s22 =	simm.s32 $0x7080  }
0x9: {  	s23 =	simm.s32 $0x7880;
	s24 =	simm.s32 $0x1;
	s6 =	sand.u32 $0x1, s3  }
0xa: {  	s3 =	simm.s32 $0x0;
	s7 =	sshll.u32 s2, $0x8;
	s8 =	sshll.u32 s6, $0x7  }
0xb: {  	[smem:$0x7FF] =	sst s3;
	s6 =	ssub.s32 $0x2, s6;
	s7 =	sor.u32 s8, s7  }
0xc: {  	_ =	strace $0x80000047;
	s9 =	sshrl.u32 s6, $0x1;
	s8 =	sshll.u32 s7, $0x5  }
0xd: {  	v2 =	vlaneseq.u32;
	s6 =	ssub.s32 s6, s9;
	s7 =	sshrl.u32 s7, $0x3;
	s9 =	simm.s32 $0x880  }
0xe: {  	vm0 =	vmmov $0xffff;
	v1 =	vshrl.u32 v2, $0x3;
	s5 =	sadd.s32 s8, s5;
	s4 =	sadd.s32 s4, s7;
	s6 =	smax.u32 s6, $0x1  }
0xf: {  	v0 =	vand.u32 $0x7, v2;
	v2 =	vor.u32 $0x8, v2;
	v1 =	vmul.u32 $0x8, v1;
	s7 =	simm.s32 $0x2;
	s8 =	simm.s32 $0x80;
	s5 =	sadd.s32 $0x1400, s5  }
.LBB2_1:
0x10: {  	[tilespmem:s3], [sflag:$0x2] =	stream.linear.gather [hbm4b:s4+s3], $0x80, $0x38;
	[tilespmem:$0x8080] =	vst v63  }
0x11: {  	_ =	swait.ge [sflag:s7], $0x80  }
0x12: {  	[sflag:s7] =	ssyncset.done $0x0  }
0x13: {  	[sflag:s7] =	ssyncadd.s32 $0xFFFFFF80  }
0x14: {  	v3 =	vld [tilespmem:$0x0];
	_ =	sdelay $0x4  }
0x15: {  	v4 =	vshll.u32 v3, $0x1  }
0x16: {  	v3 =	vand.u32 $0x7, v3;
	v4 =	vand.u32 $0xFFFFFFF0, v4  }
0x17: {  	v3 =	vor.u32 v3, v4  }
0x18: {  	v4 =	vperm.xlane v3, v0;
	_ =	sdelay $0x1  }
0x19: {  	v3 =	vperm.xlane v3, v2;
	v4 =	vadd.s32 v1, v4;
	_ =	sdelay $0x1  }
0x1a: {  	v3 =	vadd.s32 v1, v3;
	_ =	sdelay $0x2  }
0x1b: {  	[tilespmem:s8], [sflag:$0x1] =	stream.indirect_vreg.gather [hbm4b:s1+s3], $0x80, v4, vm0, $0xb8;
	[tilespmem:$0x8080] =	vst v63  }
0x1c: {  	_ = 	snop  }
0x1d: {  	[tilespmem:s9], [sflag:$0x1] =	stream.indirect_vreg.gather [hbm4b:s1+s3], $0x80, v3, vm0, $0xb8;
	[tilespmem:$0x8080] =	vst v63  }
0x1e: {  	v3 =	vld [tilespmem:$0x10];
	_ =	sdelay $0x4  }
0x1f: {  	v57 =	vshll.u32 v3, $0x1  }
0x20: {  	v3 =	vand.u32 $0x7, v3;
	v4 =	vand.u32 $0xFFFFFFF0, v57  }
0x21: {  	v3 =	vor.u32 v3, v4  }
0x22: {  	v4 =	vperm.xlane v3, v0;
	_ =	sdelay $0x1  }
0x23: {  	v3 =	vperm.xlane v3, v2;
	v4 =	vadd.s32 v1, v4;
	_ =	sdelay $0x1  }
0x24: {  	v3 =	vadd.s32 v1, v3;
	_ =	sdelay $0x2  }
0x25: {  	[tilespmem:s10], [sflag:$0x1] =	stream.indirect_vreg.gather [hbm4b:s1+s3], $0x80, v4, vm0, $0xb8;
	[tilespmem:$0x8080] =	vst v63  }
0x26: {  	_ = 	snop  }
0x27: {  	[tilespmem:s11], [sflag:$0x1] =	stream.indirect_vreg.gather [hbm4b:s1+s3], $0x80, v3, vm0, $0xb8;
	[tilespmem:$0x8080] =	vst v63  }
0x28: {  	v3 =	vld [tilespmem:$0x20];
	_ =	sdelay $0x4  }
0x29: {  	v58 =	vshll.u32 v3, $0x1  }
0x2a: {  	v3 =	vand.u32 $0x7, v3;
	v4 =	vand.u32 $0xFFFFFFF0, v58  }
0x2b: {  	v3 =	vor.u32 v3, v4  }
0x2c: {  	v4 =	vperm.xlane v3, v0;
	_ =	sdelay $0x1  }
0x2d: {  	v3 =	vperm.xlane v3, v2;
	v4 =	vadd.s32 v1, v4;
	_ =	sdelay $0x1  }
0x2e: {  	v3 =	vadd.s32 v1, v3;
	_ =	sdelay $0x2  }
0x2f: {  	[tilespmem:s12], [sflag:$0x1] =	stream.indirect_vreg.gather [hbm4b:s1+s3], $0x80, v4, vm0, $0xb8;
	[tilespmem:$0x8080] =	vst v63  }
0x30: {  	_ = 	snop  }
0x31: {  	[tilespmem:s13], [sflag:$0x1] =	stream.indirect_vreg.gather [hbm4b:s1+s3], $0x80, v3, vm0, $0xb8;
	[tilespmem:$0x8080] =	vst v63  }
0x32: {  	v3 =	vld [tilespmem:$0x30];
	_ =	sdelay $0x4  }
0x33: {  	v59 =	vshll.u32 v3, $0x1  }
0x34: {  	v3 =	vand.u32 $0x7, v3;
	v4 =	vand.u32 $0xFFFFFFF0, v59  }
0x35: {  	v3 =	vor.u32 v3, v4  }
0x36: {  	v4 =	vperm.xlane v3, v0;
	_ =	sdelay $0x1  }
0x37: {  	v3 =	vperm.xlane v3, v2;
	v4 =	vadd.s32 v1, v4;
	_ =	sdelay $0x1  }
0x38: {  	v3 =	vadd.s32 v1, v3;
	_ =	sdelay $0x2  }
0x39: {  	[tilespmem:s14], [sflag:$0x1] =	stream.indirect_vreg.gather [hbm4b:s1+s3], $0x80, v4, vm0, $0xb8;
	[tilespmem:$0x8080] =	vst v63  }
0x3a: {  	_ = 	snop  }
0x3b: {  	[tilespmem:s15], [sflag:$0x1] =	stream.indirect_vreg.gather [hbm4b:s1+s3], $0x80, v3, vm0, $0xb8;
	[tilespmem:$0x8080] =	vst v63  }
0x3c: {  	v3 =	vld [tilespmem:$0x40];
	_ =	sdelay $0x4  }
0x3d: {  	v60 =	vshll.u32 v3, $0x1  }
0x3e: {  	v3 =	vand.u32 $0x7, v3;
	v4 =	vand.u32 $0xFFFFFFF0, v60  }
0x3f: {  	v3 =	vor.u32 v3, v4  }
0x40: {  	v4 =	vperm.xlane v3, v0;
	_ =	sdelay $0x1  }
0x41: {  	v3 =	vperm.xlane v3, v2;
	v4 =	vadd.s32 v1, v4;
	_ =	sdelay $0x1  }
0x42: {  	v3 =	vadd.s32 v1, v3;
	_ =	sdelay $0x2  }
0x43: {  	[tilespmem:s16], [sflag:$0x1] =	stream.indirect_vreg.gather [hbm4b:s1+s3], $0x80, v4, vm0, $0xb8;
	[tilespmem:$0x8080] =	vst v63  }
0x44: {  	_ = 	snop  }
0x45: {  	[tilespmem:s17], [sflag:$0x1] =	stream.indirect_vreg.gather [hbm4b:s1+s3], $0x80, v3, vm0, $0xb8;
	[tilespmem:$0x8080] =	vst v63  }
0x46: {  	v3 =	vld [tilespmem:$0x50];
	_ =	sdelay $0x4  }
0x47: {  	v61 =	vshll.u32 v3, $0x1  }
0x48: {  	v3 =	vand.u32 $0x7, v3;
	v4 =	vand.u32 $0xFFFFFFF0, v61  }
0x49: {  	v3 =	vor.u32 v3, v4  }
0x4a: {  	v4 =	vperm.xlane v3, v0;
	_ =	sdelay $0x1  }
0x4b: {  	v3 =	vperm.xlane v3, v2;
	v4 =	vadd.s32 v1, v4;
	_ =	sdelay $0x1  }
0x4c: {  	v3 =	vadd.s32 v1, v3;
	_ =	sdelay $0x2  }
0x4d: {  	[tilespmem:s18], [sflag:$0x1] =	stream.indirect_vreg.gather [hbm4b:s1+s3], $0x80, v4, vm0, $0xb8;
	[tilespmem:$0x8080] =	vst v63  }
0x4e: {  	_ = 	snop  }
0x4f: {  	[tilespmem:s19], [sflag:$0x1] =	stream.indirect_vreg.gather [hbm4b:s1+s3], $0x80, v3, vm0, $0xb8;
	[tilespmem:$0x8080] =	vst v63  }
0x50: {  	v3 =	vld [tilespmem:$0x60];
	_ =	sdelay $0x4  }
0x51: {  	v62 =	vshll.u32 v3, $0x1  }
0x52: {  	v3 =	vand.u32 $0x7, v3;
	v4 =	vand.u32 $0xFFFFFFF0, v62  }
0x53: {  	v3 =	vor.u32 v3, v4  }
0x54: {  	v4 =	vperm.xlane v3, v0;
	_ =	sdelay $0x1  }
0x55: {  	v3 =	vperm.xlane v3, v2;
	v4 =	vadd.s32 v1, v4;
	_ =	sdelay $0x1  }
0x56: {  	v3 =	vadd.s32 v1, v3;
	_ =	sdelay $0x2  }
0x57: {  	[tilespmem:s20], [sflag:$0x1] =	stream.indirect_vreg.gather [hbm4b:s1+s3], $0x80, v4, vm0, $0xb8;
	[tilespmem:$0x8080] =	vst v63  }
0x58: {  	_ = 	snop  }
0x59: {  	[tilespmem:s21], [sflag:$0x1] =	stream.indirect_vreg.gather [hbm4b:s1+s3], $0x80, v3, vm0, $0xb8;
	[tilespmem:$0x8080] =	vst v63  }
0x5a: {  	v3 =	vld [tilespmem:$0x70];
	_ =	sdelay $0x4  }
0x5b: {  	v63 =	vshll.u32 v3, $0x1  }
0x5c: {  	v3 =	vand.u32 $0x7, v3;
	v4 =	vand.u32 $0xFFFFFFF0, v63  }
0x5d: {  	v3 =	vor.u32 v3, v4  }
0x5e: {  	v4 =	vperm.xlane v3, v0;
	_ =	sdelay $0x1  }
0x5f: {  	v3 =	vperm.xlane v3, v2;
	v4 =	vadd.s32 v1, v4;
	_ =	sdelay $0x1  }
0x60: {  	v3 =	vadd.s32 v1, v3;
	_ =	sdelay $0x2  }
0x61: {  	[tilespmem:s22], [sflag:$0x1] =	stream.indirect_vreg.gather [hbm4b:s1+s3], $0x80, v4, vm0, $0xb8;
	[tilespmem:$0x8080] =	vst v63  }
0x62: {  	_ = 	snop  }
0x63: {  	[tilespmem:s23], [sflag:$0x1] =	stream.indirect_vreg.gather [hbm4b:s1+s3], $0x80, v3, vm0, $0xb8;
	[tilespmem:$0x8080] =	vst v63  }
0x64: {  	_ =	swait.ge [sflag:s24], $0x8000  }
0x65: {  	p0 =	sne.s32 s6, $0x1;
	[sflag:s24] =	ssyncset.done $0x0  }
.Ltmp0:
0x66: {  	[sflag:s24] =	ssyncadd.s32 $0xFFFF8000;
	(pc) =	sbr.rel @p0 .LBB2_1-.Ltmp0, $4  }
0x67: {  	[hbm4b:s5+s3] =	stream.linear.scatter [tilespmem:s8], [sflag:$0x2], $0x8000, $0x38;
	[tilespmem:$0x8080] =	vst v63  }
0x68: {  	_ =	swait.ge [sflag:s7], $0x8000  }
0x69: {  	[sflag:s7] =	ssyncset.done $0x0  }
0x6a: {  	s6 =	sadd.s32 $0xFFFFFFFF, s6;
	[sflag:s7] =	ssyncadd.s32 $0xFFFF8000  }
0x6b: {  	_ =	sfence.sel $0x180000  }
0x6c: {  	[bflag:$0x0] =	sbarrier.arrive $0xFFFF  }
0x6d: {  	p0 =	sne.s32 s2, $0x0;
	_ =	strace $0x90000047  }
0x6e: {  	s0 =	sadd.s32 @!p0 $0x100000, s0;
	[bflag:$0x2] =	sbarrier.arrive $0xFFFF  }
0x6f: {  	[sflag:s0] =	ssyncadd.tile.s32 @!p0 $0x1;
	_ =	shalt  }
.Lfunc_end2:
_tile_overlayer_lowered:
.L_overlay_start_2:
0x70: {  	(tag) =	ssettag $0x2  }
0x71: {  	s0 =	rddreg [dreg:$0x0];
	s2 =	stileid.u32  }
0x72: {  	s1 =	rddreg [dreg:$0x1];
	p0 =	sne.s32 s2, $0x0  }
0x73: {  	s3 =	rddreg [dreg:$0x2];
	[bflag:$0x3] =	sbarrier.arrive $0xFFFF;
	s2 =	simm.s32 @!p0 $0x1C02  }
0x74: {  	[timem:s3], [sflag:s2] =	dma.local @!p0 [hbm:s0], s1  }
0x75: {  	s0 =	simm.s32 @!p0 $0x2  }
0x76: {  	_ =	swait.ge @!p0 [sflag:s0], s1  }
0x77: {  	s1 =	ssub.s32 @!p0 $0x0, s1;
	[sflag:s0] =	ssyncset.done @!p0 $0x0  }
0x78: {  	[sflag:s0] =	ssyncadd.s32 @!p0 s1  }
0x79: {  	[bflag:$0x3] =	sbarrier.arrive $0xFFFF  }
0x7a: {  	_ =	shalt  }

</sc_bundles>
